<compile_context>
chip_gen: v7x
topology: tpu7x:2x2x1
jax: 0.10.2.dev20260603
libtpu: 0.0.44.dev20260713+nightly
codegen_flags: <defaults>
</compile_context>

<pallas_src>
import functools

import jax
import jax.numpy as jnp
from jax import lax
from jax.experimental import pallas as pl
from jax.experimental.pallas import tpu as pltpu
from jax.experimental.pallas import tpu_sc as plsc

K = 10


def _topk_body(pos_ref, lig_ref, idx_ref, *, n, m, k):
    acc = jnp.zeros((m, n), dtype=jnp.float32)
    for c in range(3):
        pc = pos_ref[0, c:c + 1, :]
        lc = lig_ref[0, :, c:c + 1]
        diff = pc - lc
        acc = acc + diff * diff
    d = acc

    iota = lax.broadcasted_iota(jnp.int32, (m, n), 1).astype(jnp.float32)
    big = jnp.float32(n)
    cols = []
    ik = None
    for _ in range(k):
        if ik is not None:
            d = jnp.where(iota == ik, jnp.float32(jnp.inf), d)
        rowmin = jnp.min(d, axis=1, keepdims=True)
        cand = jnp.where(d == rowmin, iota, big)
        ik = jnp.min(cand, axis=1, keepdims=True)
        cols.append(ik)
    idx = jnp.concatenate(cols, axis=1).astype(jnp.int32)
    idx_ref[0] = idx + pl.program_id(0) * n


def _topk_call(pos_t, lig):
    b, _, n = pos_t.shape
    m = lig.shape[1]
    return pl.pallas_call(
        functools.partial(_topk_body, n=n, m=m, k=K),
        grid=(b,),
        in_specs=[
            pl.BlockSpec((1, 3, n), lambda i: (i, 0, 0)),
            pl.BlockSpec((1, m, 3), lambda i: (i, 0, 0)),
        ],
        out_specs=pl.BlockSpec((1, m, K), lambda i: (i, 0, 0)),
        out_shape=jax.ShapeDtypeStruct((b, m, K), jnp.int32),
    )(pos_t, lig)


def _sc_gather(feat_flat, gidx_flat):
    total = gidx_flat.shape[0]
    d = feat_flat.shape[1]
    info = plsc.get_sparse_core_info()
    nc, ns = info.num_cores, info.num_subcores
    nw = nc * ns
    per_w = total // nw
    ch = next(c for c in (96, 80, 64, 40, 32, 16, 8)
              if per_w % c == 0)
    n_ch = per_w // ch
    mesh = plsc.VectorSubcoreMesh(core_axis_name="c", subcore_axis_name="s")

    @functools.partial(
        pl.kernel, mesh=mesh,
        out_type=jax.ShapeDtypeStruct((total, d), jnp.float32),
        scratch_types=[
            pltpu.VMEM((ch,), jnp.int32),
            pltpu.VMEM((ch,), jnp.int32),
            pltpu.VMEM((ch, d), jnp.float32),
            pltpu.VMEM((ch, d), jnp.float32),
            pltpu.SemaphoreType.DMA,
            pltpu.SemaphoreType.DMA,
            pltpu.SemaphoreType.DMA,
            pltpu.SemaphoreType.DMA,
        ],
    )
    def gather_k(feat_hbm, idx_hbm, out_hbm, i0, i1, r0, r1, g0, g1, w0, w1):
        wid = lax.axis_index("s") * nc + lax.axis_index("c")
        base = wid * per_w
        idx_v = (i0, i1)
        rows_v = (r0, r1)
        gsem = (g0, g1)
        wsem = (w0, w1)
        pltpu.sync_copy(idx_hbm.at[pl.ds(base, ch)], i0)
        pltpu.async_copy(feat_hbm.at[i0], r0, g0)
        for c in range(n_ch):
            nb = (c + 1) % 2
            cb = c % 2
            if c + 1 < n_ch:
                off = base + (c + 1) * ch
                pltpu.sync_copy(idx_hbm.at[pl.ds(off, ch)], idx_v[nb])
                if c + 1 >= 2:
                    pltpu.make_async_copy(
                        rows_v[nb], out_hbm.at[pl.ds(base, ch)], wsem[nb]
                    ).wait()
                pltpu.async_copy(feat_hbm.at[idx_v[nb]], rows_v[nb], gsem[nb])
            pltpu.make_async_copy(
                feat_hbm.at[idx_v[cb]], rows_v[cb], gsem[cb]
            ).wait()
            pltpu.async_copy(
                rows_v[cb], out_hbm.at[pl.ds(base + c * ch, ch)], wsem[cb]
            )
        for c in range(max(0, n_ch - 2), n_ch):
            cb = c % 2
            pltpu.make_async_copy(
                rows_v[cb], out_hbm.at[pl.ds(base, ch)], wsem[cb]
            ).wait()

    return gather_k(feat_flat, gidx_flat)


def _pool_body(ia_ref, ib_ref, rows_ref, x_ref):
    ii = ia_ref[0]
    jj = ib_ref[0]
    eq = (ii == jj).astype(jnp.float32)
    mult = jnp.sum(eq, axis=0, keepdims=True)
    w = 1.0 / mult
    s = jnp.sum(w)
    xv = lax.dot_general(w, rows_ref[0], (((1,), (0,)), ((), ())),
                         precision=lax.Precision.HIGHEST)
    x_ref[0] = xv / s


def _pool_call(ia, ib, rows3):
    b, p, d = rows3.shape
    return pl.pallas_call(
        _pool_body,
        grid=(b,),
        in_specs=[
            pl.BlockSpec((1, 1, p), lambda i: (i, 0, 0)),
            pl.BlockSpec((1, p, 1), lambda i: (i, 0, 0)),
            pl.BlockSpec((1, p, d), lambda i: (i, 0, 0)),
        ],
        out_specs=pl.BlockSpec((1, 1, d), lambda i: (i, 0, 0)),
        out_shape=jax.ShapeDtypeStruct((b, 1, d), jnp.float32),
    )(ia, ib, rows3)


def _mlp_body(x_ref, w1_ref, b1_ref, g_ref, be_ref, w2_ref, b2_ref, o_ref):
    h = lax.dot_general(x_ref[...], w1_ref[...], (((1,), (0,)), ((), ())),
                        precision=lax.Precision.HIGHEST) + b1_ref[...]
    mean = jnp.mean(h, axis=0, keepdims=True)
    hc = h - mean
    var = jnp.mean(hc * hc, axis=0, keepdims=True)
    hn = hc / jnp.sqrt(var + 1e-5) * g_ref[...] + be_ref[...]
    hs = hn * (1.0 / (1.0 + jnp.exp(-hn)))
    o_ref[...] = lax.dot_general(hs, w2_ref[...], (((1,), (0,)), ((), ())),
                                 precision=lax.Precision.HIGHEST) + b2_ref[...]


def _mlp_call(x, w1, b1, g, be, w2, b2):
    b, d = x.shape
    out = w2.shape[1]
    return pl.pallas_call(
        _mlp_body,
        out_shape=jax.ShapeDtypeStruct((b, out), jnp.float32),
    )(x, w1, b1, g, be, w2, b2)


def kernel(pos, features, lig_coords, W1, b1, gamma, beta, W2, b2):
    b, n, _ = pos.shape
    m = lig_coords.shape[1]
    dd = features.shape[2]

    pos_t = jnp.transpose(pos, (0, 2, 1))
    gidx = _topk_call(pos_t, lig_coords)
    gflat = gidx.reshape(b * m * K)
    rows = _sc_gather(features.reshape(b * n, dd), gflat)

    p = m * K
    x = _pool_call(gflat.reshape(b, 1, p), gflat.reshape(b, p, 1),
                   rows.reshape(b, p, dd))
    return _mlp_call(x.reshape(b, dd), W1, b1.reshape(1, dd),
                     gamma.reshape(1, dd), beta.reshape(1, dd),
                     W2, b2.reshape(1, -1))

# --- scband reference (transcript-rebuilt; emitter-appended) ---
"""Pipeline reference for scband-masif-ligand-net-12506944766305 (READ-ONLY COPY).

The authoritative reference and input builder live on the scoring server;
editing this copy changes nothing except your own understanding.
"""

import jax, jax.numpy as jnp
import numpy as np

B, N, M, D, K, OUT = 16, 16384, 64, 512, 10, 7

def setup_inputs(seed: int = 0) -> dict:
    key = jax.random.key(seed)
    ks = jax.random.split(key, 8)
    pos = jax.random.normal(ks[0], (B, N, 3), dtype=jnp.float32) * 10.0
    features = jax.random.normal(ks[1], (B, N, D), dtype=jnp.float32)
    lig_coords = jax.random.normal(ks[2], (B, M, 3), dtype=jnp.float32) * 10.0
    W1 = jax.random.normal(ks[3], (D, D), dtype=jnp.float32) * (1.0 / np.sqrt(D))
    b1 = jnp.zeros((D,), dtype=jnp.float32)
    gamma = jnp.ones((D,), dtype=jnp.float32)
    beta = jnp.zeros((D,), dtype=jnp.float32)
    W2 = jax.random.normal(ks[4], (D, OUT), dtype=jnp.float32) * (1.0 / np.sqrt(D))
    b2 = jnp.zeros((OUT,), dtype=jnp.float32)
    return {"pos": pos, "features": features, "lig_coords": lig_coords,
            "W1": W1, "b1": b1, "gamma": gamma, "beta": beta, "W2": W2, "b2": b2}

def _pool_around_ligand(pos_i, feats_i, lig_i, k=K):
    # torch.cdist equivalent: (N, M) pairwise euclidean distances
    diff = pos_i[:, None, :] - lig_i[None, :, :]
    dists = jnp.sqrt(jnp.sum(diff * diff, axis=-1))
    dists = jax.lax.stop_gradient(dists)  # torch.no_grad() block
    # torch.topk(-dists, k=k, dim=0).indices -> top-k along axis 0
    _, idx = jax.lax.top_k(jnp.transpose(-dists), k)  # (M, k)
    mask = jnp.zeros((pos_i.shape[0],), dtype=feats_i.dtype).at[idx.reshape(-1)].set(1.0)
    count = jnp.sum(mask)
    return jnp.sum(feats_i * mask[:, None], axis=0) / count

def reference(pos, features, lig_coords, W1, b1, gamma, beta, W2, b2):
    embs = [_pool_around_ligand(pos[i], features[i], lig_coords[i]) for i in range(pos.shape[0])]
    x = jnp.stack(embs)                      # (B, D)
    h = x @ W1 + b1                          # Linear
    # Dropout omitted (inference). BatchNorm1d with batch statistics (training-mode math)
    mean = h.mean(axis=0)
    var = h.var(axis=0)
    h = (h - mean) / jnp.sqrt(var + 1e-5) * gamma + beta
    h = h * jax.nn.sigmoid(h)                # SiLU
    return h @ W2 + b2                       # (B, 7)

if __name__ == "__main__":
    import jax
    _d = setup_inputs()
    print(jax.jit(kernel)(*tuple(_d.values())))

</pallas_src>

<mosaic_0001>
#map = affine_map<(d0, d1) -> (0, 0)>
#map1 = affine_map<(d0, d1) -> (0)>
module attributes {stable_mosaic.version = 14 : i64} {
  func.func @gather_k(%arg0: i32, %arg1: i32, %arg2: memref<262144x512xf32, #tpu.memory_space<hbm>>, %arg3: memref<10240xi32, #tpu.memory_space<hbm>>, %arg4: memref<10240x512xf32, #tpu.memory_space<hbm>>, %arg5: memref<80xi32, #tpu.memory_space<vmem>>, %arg6: memref<80xi32, #tpu.memory_space<vmem>>, %arg7: memref<80x512xf32, #tpu.memory_space<vmem>>, %arg8: memref<80x512xf32, #tpu.memory_space<vmem>>, %arg9: memref<!tpu.dma_semaphore, #tpu.memory_space<semaphore_mem>>, %arg10: memref<!tpu.dma_semaphore, #tpu.memory_space<semaphore_mem>>, %arg11: memref<!tpu.dma_semaphore, #tpu.memory_space<semaphore_mem>>, %arg12: memref<!tpu.dma_semaphore, #tpu.memory_space<semaphore_mem>>) attributes {dimension_semantics = [#tpu.dimension_semantics<core_parallel>, #tpu.dimension_semantics<subcore_parallel>], iteration_bounds = array<i64: 2, 16>, scalar_prefetch = 0 : i64, scratch_operands = 8 : i64, tpu.core_type = #tpu.core_type<sc_vector_subcore>, window_params = [{transform_indices = #map}, {transform_indices = #map1}, {transform_indices = #map}]} {
    %mul3A = arith.constant 2 : i32
    %mul3A_0 = arith.muli %arg1, %mul3A : i32
    %add3A = arith.addi %mul3A_0, %arg0 : i32
    %mul3A_1 = arith.constant 320 : i32
    %mul3A_2 = arith.muli %add3A, %mul3A_1 : i32
    "tpu.region"() ({
      %run_scoped3A = tpu.sem_alloc : memref<!tpu.dma_semaphore, #tpu.memory_space<semaphore_mem>>
      %dma_start3A_71 = tpu.memref_slice %arg3[%mul3A_2] : memref<10240xi32, #tpu.memory_space<hbm>> -> memref<80xi32, #tpu.memory_space<hbm>>
      %dma_start3A_72 = tpu.memref_slice %arg3[%mul3A_2] : memref<10240xi32, #tpu.memory_space<hbm>> -> memref<80xi32, #tpu.memory_space<hbm>>
      tpu.enqueue_dma source(%dma_start3A_72 : memref<80xi32, #tpu.memory_space<hbm>>) target(%arg5 : memref<80xi32, #tpu.memory_space<vmem>>) target_semaphore(%run_scoped3A : memref<!tpu.dma_semaphore, #tpu.memory_space<semaphore_mem>>)
      %dma_wait3A_73 = tpu.memref_slice %arg3[%mul3A_2] : memref<10240xi32, #tpu.memory_space<hbm>> -> memref<80xi32, #tpu.memory_space<hbm>>
      %dma_wait3A_74 = tpu.memref_slice %arg3[%mul3A_2] : memref<10240xi32, #tpu.memory_space<hbm>> -> memref<80xi32, #tpu.memory_space<hbm>>
      tpu.wait_dma2 semaphore(%run_scoped3A : memref<!tpu.dma_semaphore, #tpu.memory_space<semaphore_mem>>) src(%dma_wait3A_74 : memref<80xi32, #tpu.memory_space<hbm>>) dst(%arg5 : memref<80xi32, #tpu.memory_space<vmem>>)
      tpu.yield
    }) : () -> ()
    %dma_start3A = arith.constant 0 : i32
    %dma_start3A_3 = arith.constant 0 : i32
    %dma_start3A_4 = tpu.memref_slice %arg2[%dma_start3A, %dma_start3A_3] : memref<262144x512xf32, #tpu.memory_space<hbm>> -> memref<262144x512xf32, #tpu.memory_space<hbm>>
    tpu.enqueue_indirect_dma source(%dma_start3A_4 : memref<262144x512xf32, #tpu.memory_space<hbm>>) target(%arg7 : memref<80x512xf32, #tpu.memory_space<vmem>>) offsets(%arg5 : memref<80xi32, #tpu.memory_space<vmem>>) semaphore(%arg9 : memref<!tpu.dma_semaphore, #tpu.memory_space<semaphore_mem>>)
    %add3A_5 = arith.constant 80 : i32
    %add3A_6 = arith.addi %mul3A_2, %add3A_5 : i32
    "tpu.region"() ({
      %run_scoped3A = tpu.sem_alloc : memref<!tpu.dma_semaphore, #tpu.memory_space<semaphore_mem>>
      %dma_start3A_71 = tpu.memref_slice %arg3[%add3A_6] : memref<10240xi32, #tpu.memory_space<hbm>> -> memref<80xi32, #tpu.memory_space<hbm>>
      %dma_start3A_72 = tpu.memref_slice %arg3[%add3A_6] : memref<10240xi32, #tpu.memory_space<hbm>> -> memref<80xi32, #tpu.memory_space<hbm>>
      tpu.enqueue_dma source(%dma_start3A_72 : memref<80xi32, #tpu.memory_space<hbm>>) target(%arg6 : memref<80xi32, #tpu.memory_space<vmem>>) target_semaphore(%run_scoped3A : memref<!tpu.dma_semaphore, #tpu.memory_space<semaphore_mem>>)
      %dma_wait3A_73 = tpu.memref_slice %arg3[%add3A_6] : memref<10240xi32, #tpu.memory_space<hbm>> -> memref<80xi32, #tpu.memory_space<hbm>>
      %dma_wait3A_74 = tpu.memref_slice %arg3[%add3A_6] : memref<10240xi32, #tpu.memory_space<hbm>> -> memref<80xi32, #tpu.memory_space<hbm>>
      tpu.wait_dma2 semaphore(%run_scoped3A : memref<!tpu.dma_semaphore, #tpu.memory_space<semaphore_mem>>) src(%dma_wait3A_74 : memref<80xi32, #tpu.memory_space<hbm>>) dst(%arg6 : memref<80xi32, #tpu.memory_space<vmem>>)
      tpu.yield
    }) : () -> ()
    %dma_start3A_7 = arith.constant 0 : i32
    %dma_start3A_8 = arith.constant 0 : i32
    %dma_start3A_9 = tpu.memref_slice %arg2[%dma_start3A_7, %dma_start3A_8] : memref<262144x512xf32, #tpu.memory_space<hbm>> -> memref<262144x512xf32, #tpu.memory_space<hbm>>
    tpu.enqueue_indirect_dma source(%dma_start3A_9 : memref<262144x512xf32, #tpu.memory_space<hbm>>) target(%arg8 : memref<80x512xf32, #tpu.memory_space<vmem>>) offsets(%arg6 : memref<80xi32, #tpu.memory_space<vmem>>) semaphore(%arg10 : memref<!tpu.dma_semaphore, #tpu.memory_space<semaphore_mem>>)
    %dma_wait3A = arith.constant 0 : i32
    %dma_wait3A_10 = arith.constant 0 : i32
    %dma_wait3A_11 = tpu.memref_slice %arg2[%dma_wait3A, %dma_wait3A_10] : memref<262144x512xf32, #tpu.memory_space<hbm>> -> memref<262144x512xf32, #tpu.memory_space<hbm>>
    tpu.wait_indirect_dma semaphore(%arg9 : memref<!tpu.dma_semaphore, #tpu.memory_space<semaphore_mem>>) src(%dma_wait3A_11 : memref<262144x512xf32, #tpu.memory_space<hbm>>) dst(%arg7 : memref<80x512xf32, #tpu.memory_space<vmem>>)
    %add3A_12 = arith.constant 0 : i32
    %add3A_13 = arith.addi %mul3A_2, %add3A_12 : i32
    %dma_start3A_14 = arith.constant 0 : i32
    %dma_start3A_15 = tpu.memref_slice %arg4[%add3A_13, %dma_start3A_14] : memref<10240x512xf32, #tpu.memory_space<hbm>> -> memref<80x512xf32, #tpu.memory_space<hbm>>
    %dma_start3A_16 = arith.constant 0 : i32
    %dma_start3A_17 = tpu.memref_slice %arg4[%add3A_13, %dma_start3A_16] : memref<10240x512xf32, #tpu.memory_space<hbm>> -> memref<80x512xf32, #tpu.memory_space<hbm>>
    tpu.enqueue_dma source(%arg7 : memref<80x512xf32, #tpu.memory_space<vmem>>) target(%dma_start3A_17 : memref<80x512xf32, #tpu.memory_space<hbm>>) target_semaphore(%arg11 : memref<!tpu.dma_semaphore, #tpu.memory_space<semaphore_mem>>)
    %add3A_18 = arith.constant 160 : i32
    %add3A_19 = arith.addi %mul3A_2, %add3A_18 : i32
    "tpu.region"() ({
      %run_scoped3A = tpu.sem_alloc : memref<!tpu.dma_semaphore, #tpu.memory_space<semaphore_mem>>
      %dma_start3A_71 = tpu.memref_slice %arg3[%add3A_19] : memref<10240xi32, #tpu.memory_space<hbm>> -> memref<80xi32, #tpu.memory_space<hbm>>
      %dma_start3A_72 = tpu.memref_slice %arg3[%add3A_19] : memref<10240xi32, #tpu.memory_space<hbm>> -> memref<80xi32, #tpu.memory_space<hbm>>
      tpu.enqueue_dma source(%dma_start3A_72 : memref<80xi32, #tpu.memory_space<hbm>>) target(%arg5 : memref<80xi32, #tpu.memory_space<vmem>>) target_semaphore(%run_scoped3A : memref<!tpu.dma_semaphore, #tpu.memory_space<semaphore_mem>>)
      %dma_wait3A_73 = tpu.memref_slice %arg3[%add3A_19] : memref<10240xi32, #tpu.memory_space<hbm>> -> memref<80xi32, #tpu.memory_space<hbm>>
      %dma_wait3A_74 = tpu.memref_slice %arg3[%add3A_19] : memref<10240xi32, #tpu.memory_space<hbm>> -> memref<80xi32, #tpu.memory_space<hbm>>
      tpu.wait_dma2 semaphore(%run_scoped3A : memref<!tpu.dma_semaphore, #tpu.memory_space<semaphore_mem>>) src(%dma_wait3A_74 : memref<80xi32, #tpu.memory_space<hbm>>) dst(%arg5 : memref<80xi32, #tpu.memory_space<vmem>>)
      tpu.yield
    }) : () -> ()
    %dma_wait3A_20 = arith.constant 0 : i32
    %dma_wait3A_21 = tpu.memref_slice %arg4[%mul3A_2, %dma_wait3A_20] : memref<10240x512xf32, #tpu.memory_space<hbm>> -> memref<80x512xf32, #tpu.memory_space<hbm>>
    %dma_wait3A_22 = arith.constant 0 : i32
    %dma_wait3A_23 = tpu.memref_slice %arg4[%mul3A_2, %dma_wait3A_22] : memref<10240x512xf32, #tpu.memory_space<hbm>> -> memref<80x512xf32, #tpu.memory_space<hbm>>
    tpu.wait_dma2 semaphore(%arg11 : memref<!tpu.dma_semaphore, #tpu.memory_space<semaphore_mem>>) src(%arg7 : memref<80x512xf32, #tpu.memory_space<vmem>>) dst(%dma_wait3A_23 : memref<80x512xf32, #tpu.memory_space<hbm>>)
    %dma_start3A_24 = arith.constant 0 : i32
    %dma_start3A_25 = arith.constant 0 : i32
    %dma_start3A_26 = tpu.memref_slice %arg2[%dma_start3A_24, %dma_start3A_25] : memref<262144x512xf32, #tpu.memory_space<hbm>> -> memref<262144x512xf32, #tpu.memory_space<hbm>>
    tpu.enqueue_indirect_dma source(%dma_start3A_26 : memref<262144x512xf32, #tpu.memory_space<hbm>>) target(%arg7 : memref<80x512xf32, #tpu.memory_space<vmem>>) offsets(%arg5 : memref<80xi32, #tpu.memory_space<vmem>>) semaphore(%arg9 : memref<!tpu.dma_semaphore, #tpu.memory_space<semaphore_mem>>)
    %dma_wait3A_27 = arith.constant 0 : i32
    %dma_wait3A_28 = arith.constant 0 : i32
    %dma_wait3A_29 = tpu.memref_slice %arg2[%dma_wait3A_27, %dma_wait3A_28] : memref<262144x512xf32, #tpu.memory_space<hbm>> -> memref<262144x512xf32, #tpu.memory_space<hbm>>
    tpu.wait_indirect_dma semaphore(%arg10 : memref<!tpu.dma_semaphore, #tpu.memory_space<semaphore_mem>>) src(%dma_wait3A_29 : memref<262144x512xf32, #tpu.memory_space<hbm>>) dst(%arg8 : memref<80x512xf32, #tpu.memory_space<vmem>>)
    %add3A_30 = arith.constant 80 : i32
    %add3A_31 = arith.addi %mul3A_2, %add3A_30 : i32
    %dma_start3A_32 = arith.constant 0 : i32
    %dma_start3A_33 = tpu.memref_slice %arg4[%add3A_31, %dma_start3A_32] : memref<10240x512xf32, #tpu.memory_space<hbm>> -> memref<80x512xf32, #tpu.memory_space<hbm>>
    %dma_start3A_34 = arith.constant 0 : i32
    %dma_start3A_35 = tpu.memref_slice %arg4[%add3A_31, %dma_start3A_34] : memref<10240x512xf32, #tpu.memory_space<hbm>> -> memref<80x512xf32, #tpu.memory_space<hbm>>
    tpu.enqueue_dma source(%arg8 : memref<80x512xf32, #tpu.memory_space<vmem>>) target(%dma_start3A_35 : memref<80x512xf32, #tpu.memory_space<hbm>>) target_semaphore(%arg12 : memref<!tpu.dma_semaphore, #tpu.memory_space<semaphore_mem>>)
    %add3A_36 = arith.constant 240 : i32
    %add3A_37 = arith.addi %mul3A_2, %add3A_36 : i32
    "tpu.region"() ({
      %run_scoped3A = tpu.sem_alloc : memref<!tpu.dma_semaphore, #tpu.memory_space<semaphore_mem>>
      %dma_start3A_71 = tpu.memref_slice %arg3[%add3A_37] : memref<10240xi32, #tpu.memory_space<hbm>> -> memref<80xi32, #tpu.memory_space<hbm>>
      %dma_start3A_72 = tpu.memref_slice %arg3[%add3A_37] : memref<10240xi32, #tpu.memory_space<hbm>> -> memref<80xi32, #tpu.memory_space<hbm>>
      tpu.enqueue_dma source(%dma_start3A_72 : memref<80xi32, #tpu.memory_space<hbm>>) target(%arg6 : memref<80xi32, #tpu.memory_space<vmem>>) target_semaphore(%run_scoped3A : memref<!tpu.dma_semaphore, #tpu.memory_space<semaphore_mem>>)
      %dma_wait3A_73 = tpu.memref_slice %arg3[%add3A_37] : memref<10240xi32, #tpu.memory_space<hbm>> -> memref<80xi32, #tpu.memory_space<hbm>>
      %dma_wait3A_74 = tpu.memref_slice %arg3[%add3A_37] : memref<10240xi32, #tpu.memory_space<hbm>> -> memref<80xi32, #tpu.memory_space<hbm>>
      tpu.wait_dma2 semaphore(%run_scoped3A : memref<!tpu.dma_semaphore, #tpu.memory_space<semaphore_mem>>) src(%dma_wait3A_74 : memref<80xi32, #tpu.memory_space<hbm>>) dst(%arg6 : memref<80xi32, #tpu.memory_space<vmem>>)
      tpu.yield
    }) : () -> ()
    %dma_wait3A_38 = arith.constant 0 : i32
    %dma_wait3A_39 = tpu.memref_slice %arg4[%mul3A_2, %dma_wait3A_38] : memref<10240x512xf32, #tpu.memory_space<hbm>> -> memref<80x512xf32, #tpu.memory_space<hbm>>
    %dma_wait3A_40 = arith.constant 0 : i32
    %dma_wait3A_41 = tpu.memref_slice %arg4[%mul3A_2, %dma_wait3A_40] : memref<10240x512xf32, #tpu.memory_space<hbm>> -> memref<80x512xf32, #tpu.memory_space<hbm>>
    tpu.wait_dma2 semaphore(%arg12 : memref<!tpu.dma_semaphore, #tpu.memory_space<semaphore_mem>>) src(%arg8 : memref<80x512xf32, #tpu.memory_space<vmem>>) dst(%dma_wait3A_41 : memref<80x512xf32, #tpu.memory_space<hbm>>)
    %dma_start3A_42 = arith.constant 0 : i32
    %dma_start3A_43 = arith.constant 0 : i32
    %dma_start3A_44 = tpu.memref_slice %arg2[%dma_start3A_42, %dma_start3A_43] : memref<262144x512xf32, #tpu.memory_space<hbm>> -> memref<262144x512xf32, #tpu.memory_space<hbm>>
    tpu.enqueue_indirect_dma source(%dma_start3A_44 : memref<262144x512xf32, #tpu.memory_space<hbm>>) target(%arg8 : memref<80x512xf32, #tpu.memory_space<vmem>>) offsets(%arg6 : memref<80xi32, #tpu.memory_space<vmem>>) semaphore(%arg10 : memref<!tpu.dma_semaphore, #tpu.memory_space<semaphore_mem>>)
    %dma_wait3A_45 = arith.constant 0 : i32
    %dma_wait3A_46 = arith.constant 0 : i32
    %dma_wait3A_47 = tpu.memref_slice %arg2[%dma_wait3A_45, %dma_wait3A_46] : memref<262144x512xf32, #tpu.memory_space<hbm>> -> memref<262144x512xf32, #tpu.memory_space<hbm>>
    tpu.wait_indirect_dma semaphore(%arg9 : memref<!tpu.dma_semaphore, #tpu.memory_space<semaphore_mem>>) src(%dma_wait3A_47 : memref<262144x512xf32, #tpu.memory_space<hbm>>) dst(%arg7 : memref<80x512xf32, #tpu.memory_space<vmem>>)
    %add3A_48 = arith.constant 160 : i32
    %add3A_49 = arith.addi %mul3A_2, %add3A_48 : i32
    %dma_start3A_50 = arith.constant 0 : i32
    %dma_start3A_51 = tpu.memref_slice %arg4[%add3A_49, %dma_start3A_50] : memref<10240x512xf32, #tpu.memory_space<hbm>> -> memref<80x512xf32, #tpu.memory_space<hbm>>
    %dma_start3A_52 = arith.constant 0 : i32
    %dma_start3A_53 = tpu.memref_slice %arg4[%add3A_49, %dma_start3A_52] : memref<10240x512xf32, #tpu.memory_space<hbm>> -> memref<80x512xf32, #tpu.memory_space<hbm>>
    tpu.enqueue_dma source(%arg7 : memref<80x512xf32, #tpu.memory_space<vmem>>) target(%dma_start3A_53 : memref<80x512xf32, #tpu.memory_space<hbm>>) target_semaphore(%arg11 : memref<!tpu.dma_semaphore, #tpu.memory_space<semaphore_mem>>)
    %dma_wait3A_54 = arith.constant 0 : i32
    %dma_wait3A_55 = arith.constant 0 : i32
    %dma_wait3A_56 = tpu.memref_slice %arg2[%dma_wait3A_54, %dma_wait3A_55] : memref<262144x512xf32, #tpu.memory_space<hbm>> -> memref<262144x512xf32, #tpu.memory_space<hbm>>
    tpu.wait_indirect_dma semaphore(%arg10 : memref<!tpu.dma_semaphore, #tpu.memory_space<semaphore_mem>>) src(%dma_wait3A_56 : memref<262144x512xf32, #tpu.memory_space<hbm>>) dst(%arg8 : memref<80x512xf32, #tpu.memory_space<vmem>>)
    %add3A_57 = arith.constant 240 : i32
    %add3A_58 = arith.addi %mul3A_2, %add3A_57 : i32
    %dma_start3A_59 = arith.constant 0 : i32
    %dma_start3A_60 = tpu.memref_slice %arg4[%add3A_58, %dma_start3A_59] : memref<10240x512xf32, #tpu.memory_space<hbm>> -> memref<80x512xf32, #tpu.memory_space<hbm>>
    %dma_start3A_61 = arith.constant 0 : i32
    %dma_start3A_62 = tpu.memref_slice %arg4[%add3A_58, %dma_start3A_61] : memref<10240x512xf32, #tpu.memory_space<hbm>> -> memref<80x512xf32, #tpu.memory_space<hbm>>
    tpu.enqueue_dma source(%arg8 : memref<80x512xf32, #tpu.memory_space<vmem>>) target(%dma_start3A_62 : memref<80x512xf32, #tpu.memory_space<hbm>>) target_semaphore(%arg12 : memref<!tpu.dma_semaphore, #tpu.memory_space<semaphore_mem>>)
    %dma_wait3A_63 = arith.constant 0 : i32
    %dma_wait3A_64 = tpu.memref_slice %arg4[%mul3A_2, %dma_wait3A_63] : memref<10240x512xf32, #tpu.memory_space<hbm>> -> memref<80x512xf32, #tpu.memory_space<hbm>>
    %dma_wait3A_65 = arith.constant 0 : i32
    %dma_wait3A_66 = tpu.memref_slice %arg4[%mul3A_2, %dma_wait3A_65] : memref<10240x512xf32, #tpu.memory_space<hbm>> -> memref<80x512xf32, #tpu.memory_space<hbm>>
    tpu.wait_dma2 semaphore(%arg11 : memref<!tpu.dma_semaphore, #tpu.memory_space<semaphore_mem>>) src(%arg7 : memref<80x512xf32, #tpu.memory_space<vmem>>) dst(%dma_wait3A_66 : memref<80x512xf32, #tpu.memory_space<hbm>>)
    %dma_wait3A_67 = arith.constant 0 : i32
    %dma_wait3A_68 = tpu.memref_slice %arg4[%mul3A_2, %dma_wait3A_67] : memref<10240x512xf32, #tpu.memory_space<hbm>> -> memref<80x512xf32, #tpu.memory_space<hbm>>
    %dma_wait3A_69 = arith.constant 0 : i32
    %dma_wait3A_70 = tpu.memref_slice %arg4[%mul3A_2, %dma_wait3A_69] : memref<10240x512xf32, #tpu.memory_space<hbm>> -> memref<80x512xf32, #tpu.memory_space<hbm>>
    tpu.wait_dma2 semaphore(%arg12 : memref<!tpu.dma_semaphore, #tpu.memory_space<semaphore_mem>>) src(%arg8 : memref<80x512xf32, #tpu.memory_space<vmem>>) dst(%dma_wait3A_70 : memref<80x512xf32, #tpu.memory_space<hbm>>)
    return
  }
}

module attributes {stable_mosaic.version = 14 : i64} {
  func.func @_topk_body(%arg0: i32, %arg1: memref<1x3x16384xf32, #tpu.memory_space<vmem>>, %arg2: memref<1x64x3xf32, #tpu.memory_space<vmem>>, %arg3: memref<1x64x10xi32, #tpu.memory_space<vmem>>) attributes {dimension_semantics = [#tpu.dimension_semantics<arbitrary>], iteration_bounds = array<i64: 16>, scalar_prefetch = 0 : i64, scratch_operands = 0 : i64, tpu.core_type = #tpu.core_type<tc>, window_params = [{transform_indices = @transform_0, window_bounds = array<i64: 1, 3, 16384>}, {transform_indices = @transform_1, window_bounds = array<i64: 1, 64, 3>}, {transform_indices = @transform_2, window_bounds = array<i64: 1, 64, 10>}]} {
    %broadcast_in_dim3A = arith.constant 0.000000e+00 : f32
    %broadcast_in_dim3A_0 = vector.broadcast %broadcast_in_dim3A : f32 to vector<64x16384xf32>
    %get3A = arith.constant 0 : index
    %get3A_1 = arith.constant 0 : index
    %get3A_2 = arith.constant 0 : index
    %get3A_3 = vector.load %arg1[%get3A, %get3A_1, %get3A_2] : memref<1x3x16384xf32, #tpu.memory_space<vmem>>, vector<1x1x16384xf32>
    %get3A_4 = vector.shape_cast %get3A_3 : vector<1x1x16384xf32> to vector<1x16384xf32>
    %get3A_5 = arith.constant 0 : index
    %get3A_6 = arith.constant 0 : index
    %get3A_7 = arith.constant 0 : index
    %get3A_8 = vector.load %arg2[%get3A_5, %get3A_6, %get3A_7] : memref<1x64x3xf32, #tpu.memory_space<vmem>>, vector<1x64x1xf32>
    %get3A_9 = vector.shape_cast %get3A_8 : vector<1x64x1xf32> to vector<64x1xf32>
    %sub3A = vector.broadcast %get3A_4 : vector<1x16384xf32> to vector<64x16384xf32>
    %sub3A_10 = vector.broadcast %get3A_9 : vector<64x1xf32> to vector<64x16384xf32>
    %sub3A_11 = arith.subf %sub3A, %sub3A_10 : vector<64x16384xf32>
    %mul3A = arith.mulf %sub3A_11, %sub3A_11 : vector<64x16384xf32>
    %add3A = arith.addf %broadcast_in_dim3A_0, %mul3A : vector<64x16384xf32>
    %get3A_12 = arith.constant 0 : index
    %get3A_13 = arith.constant 1 : index
    %get3A_14 = arith.constant 0 : index
    %get3A_15 = vector.load %arg1[%get3A_12, %get3A_13, %get3A_14] : memref<1x3x16384xf32, #tpu.memory_space<vmem>>, vector<1x1x16384xf32>
    %get3A_16 = vector.shape_cast %get3A_15 : vector<1x1x16384xf32> to vector<1x16384xf32>
    %get3A_17 = arith.constant 0 : index
    %get3A_18 = arith.constant 0 : index
    %get3A_19 = arith.constant 1 : index
    %get3A_20 = vector.load %arg2[%get3A_17, %get3A_18, %get3A_19] : memref<1x64x3xf32, #tpu.memory_space<vmem>>, vector<1x64x1xf32>
    %get3A_21 = vector.shape_cast %get3A_20 : vector<1x64x1xf32> to vector<64x1xf32>
    %sub3A_22 = vector.broadcast %get3A_16 : vector<1x16384xf32> to vector<64x16384xf32>
    %sub3A_23 = vector.broadcast %get3A_21 : vector<64x1xf32> to vector<64x16384xf32>
    %sub3A_24 = arith.subf %sub3A_22, %sub3A_23 : vector<64x16384xf32>
    %mul3A_25 = arith.mulf %sub3A_24, %sub3A_24 : vector<64x16384xf32>
    %add3A_26 = arith.addf %add3A, %mul3A_25 : vector<64x16384xf32>
    %get3A_27 = arith.constant 0 : index
    %get3A_28 = arith.constant 2 : index
    %get3A_29 = arith.constant 0 : index
    %get3A_30 = vector.load %arg1[%get3A_27, %get3A_28, %get3A_29] : memref<1x3x16384xf32, #tpu.memory_space<vmem>>, vector<1x1x16384xf32>
    %get3A_31 = vector.shape_cast %get3A_30 : vector<1x1x16384xf32> to vector<1x16384xf32>
    %get3A_32 = arith.constant 0 : index
    %get3A_33 = arith.constant 0 : index
    %get3A_34 = arith.constant 2 : index
    %get3A_35 = vector.load %arg2[%get3A_32, %get3A_33, %get3A_34] : memref<1x64x3xf32, #tpu.memory_space<vmem>>, vector<1x64x1xf32>
    %get3A_36 = vector.shape_cast %get3A_35 : vector<1x64x1xf32> to vector<64x1xf32>
    %sub3A_37 = vector.broadcast %get3A_31 : vector<1x16384xf32> to vector<64x16384xf32>
    %sub3A_38 = vector.broadcast %get3A_36 : vector<64x1xf32> to vector<64x16384xf32>
    %sub3A_39 = arith.subf %sub3A_37, %sub3A_38 : vector<64x16384xf32>
    %mul3A_40 = arith.mulf %sub3A_39, %sub3A_39 : vector<64x16384xf32>
    %add3A_41 = arith.addf %add3A_26, %mul3A_40 : vector<64x16384xf32>
    %iota3A = tpu.iota {dimensions = array<i32: 1>} : vector<64x16384xi32>
    %convert_element_type3A = arith.sitofp %iota3A : vector<64x16384xi32> to vector<64x16384xf32>
    %reduce_min3A = arith.constant dense<0x7F800000> : vector<64xf32>
    %reduce_min3A_42 = vector.multi_reduction <minimumf>, %add3A_41, %reduce_min3A [1] : vector<64x16384xf32> to vector<64xf32>
    %broadcast_in_dim3A_43 = vector.shape_cast %reduce_min3A_42 : vector<64xf32> to vector<64x1xf32>
    %eq3A = vector.broadcast %broadcast_in_dim3A_43 : vector<64x1xf32> to vector<64x16384xf32>
    %eq3A_44 = arith.cmpf oeq, %add3A_41, %eq3A : vector<64x16384xf32>
    %jit3A = arith.constant 1.638400e+04 : f32
    %broadcast_in_dim3A_45 = vector.broadcast %jit3A : f32 to vector<64x16384xf32>
    %select_n3A = arith.select %eq3A_44, %convert_element_type3A, %broadcast_in_dim3A_45 : vector<64x16384xi1>, vector<64x16384xf32>
    %reduce_min3A_46 = arith.constant dense<0x7F800000> : vector<64xf32>
    %reduce_min3A_47 = vector.multi_reduction <minimumf>, %select_n3A, %reduce_min3A_46 [1] : vector<64x16384xf32> to vector<64xf32>
    %broadcast_in_dim3A_48 = vector.shape_cast %reduce_min3A_47 : vector<64xf32> to vector<64x1xf32>
    %eq3A_49 = vector.broadcast %broadcast_in_dim3A_48 : vector<64x1xf32> to vector<64x16384xf32>
    %eq3A_50 = arith.cmpf oeq, %convert_element_type3A, %eq3A_49 : vector<64x16384xf32>
    %jit3A_51 = arith.constant 0x7F800000 : f32
    %broadcast_in_dim3A_52 = vector.broadcast %jit3A_51 : f32 to vector<64x16384xf32>
    %select_n3A_53 = arith.select %eq3A_50, %broadcast_in_dim3A_52, %add3A_41 : vector<64x16384xi1>, vector<64x16384xf32>
    %reduce_min3A_54 = arith.constant dense<0x7F800000> : vector<64xf32>
    %reduce_min3A_55 = vector.multi_reduction <minimumf>, %select_n3A_53, %reduce_min3A_54 [1] : vector<64x16384xf32> to vector<64xf32>
    %broadcast_in_dim3A_56 = vector.shape_cast %reduce_min3A_55 : vector<64xf32> to vector<64x1xf32>
    %eq3A_57 = vector.broadcast %broadcast_in_dim3A_56 : vector<64x1xf32> to vector<64x16384xf32>
    %eq3A_58 = arith.cmpf oeq, %select_n3A_53, %eq3A_57 : vector<64x16384xf32>
    %jit3A_59 = arith.constant 1.638400e+04 : f32
    %broadcast_in_dim3A_60 = vector.broadcast %jit3A_59 : f32 to vector<64x16384xf32>
    %select_n3A_61 = arith.select %eq3A_58, %convert_element_type3A, %broadcast_in_dim3A_60 : vector<64x16384xi1>, vector<64x16384xf32>
    %reduce_min3A_62 = arith.constant dense<0x7F800000> : vector<64xf32>
    %reduce_min3A_63 = vector.multi_reduction <minimumf>, %select_n3A_61, %reduce_min3A_62 [1] : vector<64x16384xf32> to vector<64xf32>
    %broadcast_in_dim3A_64 = vector.shape_cast %reduce_min3A_63 : vector<64xf32> to vector<64x1xf32>
    %eq3A_65 = vector.broadcast %broadcast_in_dim3A_64 : vector<64x1xf32> to vector<64x16384xf32>
    %eq3A_66 = arith.cmpf oeq, %convert_element_type3A, %eq3A_65 : vector<64x16384xf32>
    %jit3A_67 = arith.constant 0x7F800000 : f32
    %broadcast_in_dim3A_68 = vector.broadcast %jit3A_67 : f32 to vector<64x16384xf32>
    %select_n3A_69 = arith.select %eq3A_66, %broadcast_in_dim3A_68, %select_n3A_53 : vector<64x16384xi1>, vector<64x16384xf32>
    %reduce_min3A_70 = arith.constant dense<0x7F800000> : vector<64xf32>
    %reduce_min3A_71 = vector.multi_reduction <minimumf>, %select_n3A_69, %reduce_min3A_70 [1] : vector<64x16384xf32> to vector<64xf32>
    %broadcast_in_dim3A_72 = vector.shape_cast %reduce_min3A_71 : vector<64xf32> to vector<64x1xf32>
    %eq3A_73 = vector.broadcast %broadcast_in_dim3A_72 : vector<64x1xf32> to vector<64x16384xf32>
    %eq3A_74 = arith.cmpf oeq, %select_n3A_69, %eq3A_73 : vector<64x16384xf32>
    %jit3A_75 = arith.constant 1.638400e+04 : f32
    %broadcast_in_dim3A_76 = vector.broadcast %jit3A_75 : f32 to vector<64x16384xf32>
    %select_n3A_77 = arith.select %eq3A_74, %convert_element_type3A, %broadcast_in_dim3A_76 : vector<64x16384xi1>, vector<64x16384xf32>
    %reduce_min3A_78 = arith.constant dense<0x7F800000> : vector<64xf32>
    %reduce_min3A_79 = vector.multi_reduction <minimumf>, %select_n3A_77, %reduce_min3A_78 [1] : vector<64x16384xf32> to vector<64xf32>
    %broadcast_in_dim3A_80 = vector.shape_cast %reduce_min3A_79 : vector<64xf32> to vector<64x1xf32>
    %eq3A_81 = vector.broadcast %broadcast_in_dim3A_80 : vector<64x1xf32> to vector<64x16384xf32>
    %eq3A_82 = arith.cmpf oeq, %convert_element_type3A, %eq3A_81 : vector<64x16384xf32>
    %jit3A_83 = arith.constant 0x7F800000 : f32
    %broadcast_in_dim3A_84 = vector.broadcast %jit3A_83 : f32 to vector<64x16384xf32>
    %select_n3A_85 = arith.select %eq3A_82, %broadcast_in_dim3A_84, %select_n3A_69 : vector<64x16384xi1>, vector<64x16384xf32>
    %reduce_min3A_86 = arith.constant dense<0x7F800000> : vector<64xf32>
    %reduce_min3A_87 = vector.multi_reduction <minimumf>, %select_n3A_85, %reduce_min3A_86 [1] : vector<64x16384xf32> to vector<64xf32>
    %broadcast_in_dim3A_88 = vector.shape_cast %reduce_min3A_87 : vector<64xf32> to vector<64x1xf32>
    %eq3A_89 = vector.broadcast %broadcast_in_dim3A_88 : vector<64x1xf32> to vector<64x16384xf32>
    %eq3A_90 = arith.cmpf oeq, %select_n3A_85, %eq3A_89 : vector<64x16384xf32>
    %jit3A_91 = arith.constant 1.638400e+04 : f32
    %broadcast_in_dim3A_92 = vector.broadcast %jit3A_91 : f32 to vector<64x16384xf32>
    %select_n3A_93 = arith.select %eq3A_90, %convert_element_type3A, %broadcast_in_dim3A_92 : vector<64x16384xi1>, vector<64x16384xf32>
    %reduce_min3A_94 = arith.constant dense<0x7F800000> : vector<64xf32>
    %reduce_min3A_95 = vector.multi_reduction <minimumf>, %select_n3A_93, %reduce_min3A_94 [1] : vector<64x16384xf32> to vector<64xf32>
    %broadcast_in_dim3A_96 = vector.shape_cast %reduce_min3A_95 : vector<64xf32> to vector<64x1xf32>
    %eq3A_97 = vector.broadcast %broadcast_in_dim3A_96 : vector<64x1xf32> to vector<64x16384xf32>
    %eq3A_98 = arith.cmpf oeq, %convert_element_type3A, %eq3A_97 : vector<64x16384xf32>
    %jit3A_99 = arith.constant 0x7F800000 : f32
    %broadcast_in_dim3A_100 = vector.broadcast %jit3A_99 : f32 to vector<64x16384xf32>
    %select_n3A_101 = arith.select %eq3A_98, %broadcast_in_dim3A_100, %select_n3A_85 : vector<64x16384xi1>, vector<64x16384xf32>
    %reduce_min3A_102 = arith.constant dense<0x7F800000> : vector<64xf32>
    %reduce_min3A_103 = vector.multi_reduction <minimumf>, %select_n3A_101, %reduce_min3A_102 [1] : vector<64x16384xf32> to vector<64xf32>
    %broadcast_in_dim3A_104 = vector.shape_cast %reduce_min3A_103 : vector<64xf32> to vector<64x1xf32>
    %eq3A_105 = vector.broadcast %broadcast_in_dim3A_104 : vector<64x1xf32> to vector<64x16384xf32>
    %eq3A_106 = arith.cmpf oeq, %select_n3A_101, %eq3A_105 : vector<64x16384xf32>
    %jit3A_107 = arith.constant 1.638400e+04 : f32
    %broadcast_in_dim3A_108 = vector.broadcast %jit3A_107 : f32 to vector<64x16384xf32>
    %select_n3A_109 = arith.select %eq3A_106, %convert_element_type3A, %broadcast_in_dim3A_108 : vector<64x16384xi1>, vector<64x16384xf32>
    %reduce_min3A_110 = arith.constant dense<0x7F800000> : vector<64xf32>
    %reduce_min3A_111 = vector.multi_reduction <minimumf>, %select_n3A_109, %reduce_min3A_110 [1] : vector<64x16384xf32> to vector<64xf32>
    %broadcast_in_dim3A_112 = vector.shape_cast %reduce_min3A_111 : vector<64xf32> to vector<64x1xf32>
    %eq3A_113 = vector.broadcast %broadcast_in_dim3A_112 : vector<64x1xf32> to vector<64x16384xf32>
    %eq3A_114 = arith.cmpf oeq, %convert_element_type3A, %eq3A_113 : vector<64x16384xf32>
    %jit3A_115 = arith.constant 0x7F800000 : f32
    %broadcast_in_dim3A_116 = vector.broadcast %jit3A_115 : f32 to vector<64x16384xf32>
    %select_n3A_117 = arith.select %eq3A_114, %broadcast_in_dim3A_116, %select_n3A_101 : vector<64x16384xi1>, vector<64x16384xf32>
    %reduce_min3A_118 = arith.constant dense<0x7F800000> : vector<64xf32>
    %reduce_min3A_119 = vector.multi_reduction <minimumf>, %select_n3A_117, %reduce_min3A_118 [1] : vector<64x16384xf32> to vector<64xf32>
    %broadcast_in_dim3A_120 = vector.shape_cast %reduce_min3A_119 : vector<64xf32> to vector<64x1xf32>
    %eq3A_121 = vector.broadcast %broadcast_in_dim3A_120 : vector<64x1xf32> to vector<64x16384xf32>
    %eq3A_122 = arith.cmpf oeq, %select_n3A_117, %eq3A_121 : vector<64x16384xf32>
    %jit3A_123 = arith.constant 1.638400e+04 : f32
    %broadcast_in_dim3A_124 = vector.broadcast %jit3A_123 : f32 to vector<64x16384xf32>
    %select_n3A_125 = arith.select %eq3A_122, %convert_element_type3A, %broadcast_in_dim3A_124 : vector<64x16384xi1>, vector<64x16384xf32>
    %reduce_min3A_126 = arith.constant dense<0x7F800000> : vector<64xf32>
    %reduce_min3A_127 = vector.multi_reduction <minimumf>, %select_n3A_125, %reduce_min3A_126 [1] : vector<64x16384xf32> to vector<64xf32>
    %broadcast_in_dim3A_128 = vector.shape_cast %reduce_min3A_127 : vector<64xf32> to vector<64x1xf32>
    %eq3A_129 = vector.broadcast %broadcast_in_dim3A_128 : vector<64x1xf32> to vector<64x16384xf32>
    %eq3A_130 = arith.cmpf oeq, %convert_element_type3A, %eq3A_129 : vector<64x16384xf32>
    %jit3A_131 = arith.constant 0x7F800000 : f32
    %broadcast_in_dim3A_132 = vector.broadcast %jit3A_131 : f32 to vector<64x16384xf32>
    %select_n3A_133 = arith.select %eq3A_130, %broadcast_in_dim3A_132, %select_n3A_117 : vector<64x16384xi1>, vector<64x16384xf32>
    %reduce_min3A_134 = arith.constant dense<0x7F800000> : vector<64xf32>
    %reduce_min3A_135 = vector.multi_reduction <minimumf>, %select_n3A_133, %reduce_min3A_134 [1] : vector<64x16384xf32> to vector<64xf32>
    %broadcast_in_dim3A_136 = vector.shape_cast %reduce_min3A_135 : vector<64xf32> to vector<64x1xf32>
    %eq3A_137 = vector.broadcast %broadcast_in_dim3A_136 : vector<64x1xf32> to vector<64x16384xf32>
    %eq3A_138 = arith.cmpf oeq, %select_n3A_133, %eq3A_137 : vector<64x16384xf32>
    %jit3A_139 = arith.constant 1.638400e+04 : f32
    %broadcast_in_dim3A_140 = vector.broadcast %jit3A_139 : f32 to vector<64x16384xf32>
    %select_n3A_141 = arith.select %eq3A_138, %convert_element_type3A, %broadcast_in_dim3A_140 : vector<64x16384xi1>, vector<64x16384xf32>
    %reduce_min3A_142 = arith.constant dense<0x7F800000> : vector<64xf32>
    %reduce_min3A_143 = vector.multi_reduction <minimumf>, %select_n3A_141, %reduce_min3A_142 [1] : vector<64x16384xf32> to vector<64xf32>
    %broadcast_in_dim3A_144 = vector.shape_cast %reduce_min3A_143 : vector<64xf32> to vector<64x1xf32>
    %eq3A_145 = vector.broadcast %broadcast_in_dim3A_144 : vector<64x1xf32> to vector<64x16384xf32>
    %eq3A_146 = arith.cmpf oeq, %convert_element_type3A, %eq3A_145 : vector<64x16384xf32>
    %jit3A_147 = arith.constant 0x7F800000 : f32
    %broadcast_in_dim3A_148 = vector.broadcast %jit3A_147 : f32 to vector<64x16384xf32>
    %select_n3A_149 = arith.select %eq3A_146, %broadcast_in_dim3A_148, %select_n3A_133 : vector<64x16384xi1>, vector<64x16384xf32>
    %reduce_min3A_150 = arith.constant dense<0x7F800000> : vector<64xf32>
    %reduce_min3A_151 = vector.multi_reduction <minimumf>, %select_n3A_149, %reduce_min3A_150 [1] : vector<64x16384xf32> to vector<64xf32>
    %broadcast_in_dim3A_152 = vector.shape_cast %reduce_min3A_151 : vector<64xf32> to vector<64x1xf32>
    %eq3A_153 = vector.broadcast %broadcast_in_dim3A_152 : vector<64x1xf32> to vector<64x16384xf32>
    %eq3A_154 = arith.cmpf oeq, %select_n3A_149, %eq3A_153 : vector<64x16384xf32>
    %jit3A_155 = arith.constant 1.638400e+04 : f32
    %broadcast_in_dim3A_156 = vector.broadcast %jit3A_155 : f32 to vector<64x16384xf32>
    %select_n3A_157 = arith.select %eq3A_154, %convert_element_type3A, %broadcast_in_dim3A_156 : vector<64x16384xi1>, vector<64x16384xf32>
    %reduce_min3A_158 = arith.constant dense<0x7F800000> : vector<64xf32>
    %reduce_min3A_159 = vector.multi_reduction <minimumf>, %select_n3A_157, %reduce_min3A_158 [1] : vector<64x16384xf32> to vector<64xf32>
    %broadcast_in_dim3A_160 = vector.shape_cast %reduce_min3A_159 : vector<64xf32> to vector<64x1xf32>
    %eq3A_161 = vector.broadcast %broadcast_in_dim3A_160 : vector<64x1xf32> to vector<64x16384xf32>
    %eq3A_162 = arith.cmpf oeq, %convert_element_type3A, %eq3A_161 : vector<64x16384xf32>
    %jit3A_163 = arith.constant 0x7F800000 : f32
    %broadcast_in_dim3A_164 = vector.broadcast %jit3A_163 : f32 to vector<64x16384xf32>
    %select_n3A_165 = arith.select %eq3A_162, %broadcast_in_dim3A_164, %select_n3A_149 : vector<64x16384xi1>, vector<64x16384xf32>
    %reduce_min3A_166 = arith.constant dense<0x7F800000> : vector<64xf32>
    %reduce_min3A_167 = vector.multi_reduction <minimumf>, %select_n3A_165, %reduce_min3A_166 [1] : vector<64x16384xf32> to vector<64xf32>
    %broadcast_in_dim3A_168 = vector.shape_cast %reduce_min3A_167 : vector<64xf32> to vector<64x1xf32>
    %eq3A_169 = vector.broadcast %broadcast_in_dim3A_168 : vector<64x1xf32> to vector<64x16384xf32>
    %eq3A_170 = arith.cmpf oeq, %select_n3A_165, %eq3A_169 : vector<64x16384xf32>
    %jit3A_171 = arith.constant 1.638400e+04 : f32
    %broadcast_in_dim3A_172 = vector.broadcast %jit3A_171 : f32 to vector<64x16384xf32>
    %select_n3A_173 = arith.select %eq3A_170, %convert_element_type3A, %broadcast_in_dim3A_172 : vector<64x16384xi1>, vector<64x16384xf32>
    %reduce_min3A_174 = arith.constant dense<0x7F800000> : vector<64xf32>
    %reduce_min3A_175 = vector.multi_reduction <minimumf>, %select_n3A_173, %reduce_min3A_174 [1] : vector<64x16384xf32> to vector<64xf32>
    %broadcast_in_dim3A_176 = vector.shape_cast %reduce_min3A_175 : vector<64xf32> to vector<64x1xf32>
    %eq3A_177 = vector.broadcast %broadcast_in_dim3A_176 : vector<64x1xf32> to vector<64x16384xf32>
    %eq3A_178 = arith.cmpf oeq, %convert_element_type3A, %eq3A_177 : vector<64x16384xf32>
    %jit3A_179 = arith.constant 0x7F800000 : f32
    %broadcast_in_dim3A_180 = vector.broadcast %jit3A_179 : f32 to vector<64x16384xf32>
    %select_n3A_181 = arith.select %eq3A_178, %broadcast_in_dim3A_180, %select_n3A_165 : vector<64x16384xi1>, vector<64x16384xf32>
    %reduce_min3A_182 = arith.constant dense<0x7F800000> : vector<64xf32>
    %reduce_min3A_183 = vector.multi_reduction <minimumf>, %select_n3A_181, %reduce_min3A_182 [1] : vector<64x16384xf32> to vector<64xf32>
    %broadcast_in_dim3A_184 = vector.shape_cast %reduce_min3A_183 : vector<64xf32> to vector<64x1xf32>
    %eq3A_185 = vector.broadcast %broadcast_in_dim3A_184 : vector<64x1xf32> to vector<64x16384xf32>
    %eq3A_186 = arith.cmpf oeq, %select_n3A_181, %eq3A_185 : vector<64x16384xf32>
    %jit3A_187 = arith.constant 1.638400e+04 : f32
    %broadcast_in_dim3A_188 = vector.broadcast %jit3A_187 : f32 to vector<64x16384xf32>
    %select_n3A_189 = arith.select %eq3A_186, %convert_element_type3A, %broadcast_in_dim3A_188 : vector<64x16384xi1>, vector<64x16384xf32>
    %reduce_min3A_190 = arith.constant dense<0x7F800000> : vector<64xf32>
    %reduce_min3A_191 = vector.multi_reduction <minimumf>, %select_n3A_189, %reduce_min3A_190 [1] : vector<64x16384xf32> to vector<64xf32>
    %broadcast_in_dim3A_192 = vector.shape_cast %reduce_min3A_191 : vector<64xf32> to vector<64x1xf32>
    %concatenate3A = tpu.concatenate %broadcast_in_dim3A_48, %broadcast_in_dim3A_64, %broadcast_in_dim3A_80, %broadcast_in_dim3A_96, %broadcast_in_dim3A_112, %broadcast_in_dim3A_128, %broadcast_in_dim3A_144, %broadcast_in_dim3A_160, %broadcast_in_dim3A_176, %broadcast_in_dim3A_192 in 1 : vector<64x1xf32>, vector<64x1xf32>, vector<64x1xf32>, vector<64x1xf32>, vector<64x1xf32>, vector<64x1xf32>, vector<64x1xf32>, vector<64x1xf32>, vector<64x1xf32>, vector<64x1xf32> -> vector<64x10xf32>
    %convert_element_type3A_193 = arith.fptosi %concatenate3A : vector<64x10xf32> to vector<64x10xi32>
    %mul3A_194 = arith.constant 16384 : i32
    %mul3A_195 = arith.muli %arg0, %mul3A_194 : i32
    %add3A_196 = vector.broadcast %mul3A_195 : i32 to vector<64x10xi32>
    %add3A_197 = arith.addi %convert_element_type3A_193, %add3A_196 : vector<64x10xi32>
    %swap3A = arith.constant 0 : index
    %swap3A_198 = arith.constant 0 : index
    %swap3A_199 = arith.constant 0 : index
    %swap3A_200 = vector.load %arg3[%swap3A, %swap3A_198, %swap3A_199] : memref<1x64x10xi32, #tpu.memory_space<vmem>>, vector<1x64x10xi32>
    %swap3A_201 = vector.shape_cast %swap3A_200 : vector<1x64x10xi32> to vector<64x10xi32>
    %swap3A_202 = vector.shape_cast %add3A_197 : vector<64x10xi32> to vector<1x64x10xi32>
    tpu.vector_store %arg3[%swap3A, %swap3A_198, %swap3A_199], %swap3A_202 {strides = array<i32>} : memref<1x64x10xi32, #tpu.memory_space<vmem>>, vector<1x64x10xi32>,
    return
  }
  func.func @transform_0(%arg0: i32) -> (i32, i32, i32) {
    %c0_i32 = arith.constant 0 : i32
    %c0_i32_0 = arith.constant 0 : i32
    %c0_i32_1 = arith.constant 0 : i32
    return %arg0, %c0_i32, %c0_i32_0 : i32, i32, i32
  }
  func.func @transform_1(%arg0: i32) -> (i32, i32, i32) {
    %c0_i32 = arith.constant 0 : i32
    %c0_i32_0 = arith.constant 0 : i32
    %c0_i32_1 = arith.constant 0 : i32
    return %arg0, %c0_i32, %c0_i32_0 : i32, i32, i32
  }
  func.func @transform_2(%arg0: i32) -> (i32, i32, i32) {
    %c0_i32 = arith.constant 0 : i32
    %c0_i32_0 = arith.constant 0 : i32
    %c0_i32_1 = arith.constant 0 : i32
    return %arg0, %c0_i32, %c0_i32_0 : i32, i32, i32
  }
}

module attributes {stable_mosaic.version = 14 : i64} {
  func.func @_pool_body(%arg0: i32, %arg1: memref<1x1x640xi32, #tpu.memory_space<vmem>>, %arg2: memref<1x640x1xi32, #tpu.memory_space<vmem>>, %arg3: memref<1x640x512xf32, #tpu.memory_space<vmem>>, %arg4: memref<1x1x512xf32, #tpu.memory_space<vmem>>) attributes {dimension_semantics = [#tpu.dimension_semantics<arbitrary>], iteration_bounds = array<i64: 16>, scalar_prefetch = 0 : i64, scratch_operands = 0 : i64, tpu.core_type = #tpu.core_type<tc>, window_params = [{transform_indices = @transform_0, window_bounds = array<i64: 1, 1, 640>}, {transform_indices = @transform_1, window_bounds = array<i64: 1, 640, 1>}, {transform_indices = @transform_2, window_bounds = array<i64: 1, 640, 512>}, {transform_indices = @transform_3, window_bounds = array<i64: 1, 1, 512>}]} {
    %get3A = arith.constant 0 : index
    %get3A_0 = arith.constant 0 : index
    %get3A_1 = arith.constant 0 : index
    %get3A_2 = vector.load %arg1[%get3A, %get3A_0, %get3A_1] : memref<1x1x640xi32, #tpu.memory_space<vmem>>, vector<1x1x640xi32>
    %get3A_3 = vector.shape_cast %get3A_2 : vector<1x1x640xi32> to vector<1x640xi32>
    %get3A_4 = arith.constant 0 : index
    %get3A_5 = arith.constant 0 : index
    %get3A_6 = arith.constant 0 : index
    %get3A_7 = vector.load %arg2[%get3A_4, %get3A_5, %get3A_6] : memref<1x640x1xi32, #tpu.memory_space<vmem>>, vector<1x640x1xi32>
    %get3A_8 = vector.shape_cast %get3A_7 : vector<1x640x1xi32> to vector<640x1xi32>
    %eq3A = vector.broadcast %get3A_3 : vector<1x640xi32> to vector<640x640xi32>
    %eq3A_9 = vector.broadcast %get3A_8 : vector<640x1xi32> to vector<640x640xi32>
    %eq3A_10 = arith.cmpi eq, %eq3A, %eq3A_9 : vector<640x640xi32>
    %convert_element_type3A = arith.extui %eq3A_10 : vector<640x640xi1> to vector<640x640xi32>
    %convert_element_type3A_11 = arith.sitofp %convert_element_type3A : vector<640x640xi32> to vector<640x640xf32>
    %reduce_sum3A = arith.constant dense<0.000000e+00> : vector<640xf32>
    %reduce_sum3A_12 = vector.multi_reduction <add>, %convert_element_type3A_11, %reduce_sum3A [0] : vector<640x640xf32> to vector<640xf32>
    %broadcast_in_dim3A = vector.shape_cast %reduce_sum3A_12 : vector<640xf32> to vector<1x640xf32>
    %div3A = arith.constant 1.000000e+00 : f32
    %div3A_13 = vector.broadcast %div3A : f32 to vector<1x640xf32>
    %div3A_14 = arith.divf %div3A_13, %broadcast_in_dim3A : vector<1x640xf32>
    %reduce_sum3A_15 = vector.shape_cast %div3A_14 : vector<1x640xf32> to vector<1x1x640xf32>
    %reduce_sum3A_16 = arith.constant dense<0.000000e+00> : vector<1xf32>
    %reduce_sum3A_17 = vector.multi_reduction <add>, %reduce_sum3A_15, %reduce_sum3A_16 [1, 2] : vector<1x1x640xf32> to vector<1xf32>
    %reduce_sum3A_18 = vector.shape_cast %reduce_sum3A_17 : vector<1xf32> to vector<1x1x1xf32>
    %reduce_sum3A_19 = vector.extract %reduce_sum3A_18[0, 0, 0] : f32 from vector<1x1x1xf32>
    %get3A_20 = arith.constant 0 : index
    %get3A_21 = arith.constant 0 : index
    %get3A_22 = arith.constant 0 : index
    %get3A_23 = vector.load %arg3[%get3A_20, %get3A_21, %get3A_22] : memref<1x640x512xf32, #tpu.memory_space<vmem>>, vector<1x640x512xf32>
    %get3A_24 = vector.shape_cast %get3A_23 : vector<1x640x512xf32> to vector<640x512xf32>
    %dot_general3A = arith.constant dense<0.000000e+00> : vector<1x512xf32>
    %dot_general3A_25 = tpu.matmul %div3A_14, %get3A_24, %dot_general3A {dimension_numbers = #tpu.dot_dimension_numbers<[1], [0], [0], [1], [0, 0, 1, 1], [], []>, precision = #tpu.contract_precision<fp32>, transpose_lhs_hint = false} : vector<1x640xf32>, vector<640x512xf32>, vector<1x512xf32> -> vector<1x512xf32>
    %div3A_26 = vector.broadcast %reduce_sum3A_19 : f32 to vector<1x512xf32>
    %div3A_27 = arith.divf %dot_general3A_25, %div3A_26 : vector<1x512xf32>
    %swap3A = arith.constant 0 : index
    %swap3A_28 = arith.constant 0 : index
    %swap3A_29 = arith.constant 0 : index
    %swap3A_30 = vector.load %arg4[%swap3A, %swap3A_28, %swap3A_29] : memref<1x1x512xf32, #tpu.memory_space<vmem>>, vector<1x1x512xf32>
    %swap3A_31 = vector.shape_cast %swap3A_30 : vector<1x1x512xf32> to vector<1x512xf32>
    %swap3A_32 = vector.shape_cast %div3A_27 : vector<1x512xf32> to vector<1x1x512xf32>
    tpu.vector_store %arg4[%swap3A, %swap3A_28, %swap3A_29], %swap3A_32 {strides = array<i32>} : memref<1x1x512xf32, #tpu.memory_space<vmem>>, vector<1x1x512xf32>,
    return
  }
  func.func @transform_0(%arg0: i32) -> (i32, i32, i32) {
    %c0_i32 = arith.constant 0 : i32
    %c0_i32_0 = arith.constant 0 : i32
    %c0_i32_1 = arith.constant 0 : i32
    return %arg0, %c0_i32, %c0_i32_0 : i32, i32, i32
  }
  func.func @transform_1(%arg0: i32) -> (i32, i32, i32) {
    %c0_i32 = arith.constant 0 : i32
    %c0_i32_0 = arith.constant 0 : i32
    %c0_i32_1 = arith.constant 0 : i32
    return %arg0, %c0_i32, %c0_i32_0 : i32, i32, i32
  }
  func.func @transform_2(%arg0: i32) -> (i32, i32, i32) {
    %c0_i32 = arith.constant 0 : i32
    %c0_i32_0 = arith.constant 0 : i32
    %c0_i32_1 = arith.constant 0 : i32
    return %arg0, %c0_i32, %c0_i32_0 : i32, i32, i32
  }
  func.func @transform_3(%arg0: i32) -> (i32, i32, i32) {
    %c0_i32 = arith.constant 0 : i32
    %c0_i32_0 = arith.constant 0 : i32
    %c0_i32_1 = arith.constant 0 : i32
    return %arg0, %c0_i32, %c0_i32_0 : i32, i32, i32
  }
}

module attributes {stable_mosaic.version = 14 : i64} {
  func.func @_mlp_body(%arg0: memref<16x512xf32, #tpu.memory_space<vmem>>, %arg1: memref<512x512xf32, #tpu.memory_space<vmem>>, %arg2: memref<1x512xf32, #tpu.memory_space<vmem>>, %arg3: memref<1x512xf32, #tpu.memory_space<vmem>>, %arg4: memref<1x512xf32, #tpu.memory_space<vmem>>, %arg5: memref<512x7xf32, #tpu.memory_space<vmem>>, %arg6: memref<1x7xf32, #tpu.memory_space<vmem>>, %arg7: memref<16x7xf32, #tpu.memory_space<vmem>>) attributes {dimension_semantics = [], scalar_prefetch = 0 : i64, scratch_operands = 0 : i64, tpu.core_type = #tpu.core_type<tc>} {
    %get3A = arith.constant 0 : index
    %get3A_0 = arith.constant 0 : index
    %get3A_1 = vector.load %arg0[%get3A, %get3A_0] : memref<16x512xf32, #tpu.memory_space<vmem>>, vector<16x512xf32>
    %get3A_2 = arith.constant 0 : index
    %get3A_3 = arith.constant 0 : index
    %get3A_4 = vector.load %arg1[%get3A_2, %get3A_3] : memref<512x512xf32, #tpu.memory_space<vmem>>, vector<512x512xf32>
    %dot_general3A = arith.constant dense<0.000000e+00> : vector<16x512xf32>
    %dot_general3A_5 = tpu.matmul %get3A_1, %get3A_4, %dot_general3A {dimension_numbers = #tpu.dot_dimension_numbers<[1], [0], [0], [1], [0, 0, 1, 1], [], []>, precision = #tpu.contract_precision<fp32>, transpose_lhs_hint = false} : vector<16x512xf32>, vector<512x512xf32>, vector<16x512xf32> -> vector<16x512xf32>
    %get3A_6 = arith.constant 0 : index
    %get3A_7 = arith.constant 0 : index
    %get3A_8 = vector.load %arg2[%get3A_6, %get3A_7] : memref<1x512xf32, #tpu.memory_space<vmem>>, vector<1x512xf32>
    %add3A = vector.broadcast %get3A_8 : vector<1x512xf32> to vector<16x512xf32>
    %add3A_9 = arith.addf %dot_general3A_5, %add3A : vector<16x512xf32>
    %reduce_sum3A = arith.constant dense<0.000000e+00> : vector<512xf32>
    %reduce_sum3A_10 = vector.multi_reduction <add>, %add3A_9, %reduce_sum3A [0] : vector<16x512xf32> to vector<512xf32>
    %broadcast_in_dim3A = vector.shape_cast %reduce_sum3A_10 : vector<512xf32> to vector<1x512xf32>
    %div3A = arith.constant 1.600000e+01 : f32
    %div3A_11 = vector.broadcast %div3A : f32 to vector<1x512xf32>
    %div3A_12 = arith.divf %broadcast_in_dim3A, %div3A_11 : vector<1x512xf32>
    %sub3A = vector.broadcast %div3A_12 : vector<1x512xf32> to vector<16x512xf32>
    %sub3A_13 = arith.subf %add3A_9, %sub3A : vector<16x512xf32>
    %mul3A = arith.mulf %sub3A_13, %sub3A_13 : vector<16x512xf32>
    %reduce_sum3A_14 = arith.constant dense<0.000000e+00> : vector<512xf32>
    %reduce_sum3A_15 = vector.multi_reduction <add>, %mul3A, %reduce_sum3A_14 [0] : vector<16x512xf32> to vector<512xf32>
    %broadcast_in_dim3A_16 = vector.shape_cast %reduce_sum3A_15 : vector<512xf32> to vector<1x512xf32>
    %div3A_17 = arith.constant 1.600000e+01 : f32
    %div3A_18 = vector.broadcast %div3A_17 : f32 to vector<1x512xf32>
    %div3A_19 = arith.divf %broadcast_in_dim3A_16, %div3A_18 : vector<1x512xf32>
    %add3A_20 = arith.constant 9.99999974E-6 : f32
    %add3A_21 = vector.broadcast %add3A_20 : f32 to vector<1x512xf32>
    %add3A_22 = arith.addf %div3A_19, %add3A_21 : vector<1x512xf32>
    %sqrt3A = math.sqrt %add3A_22 : vector<1x512xf32>
    %div3A_23 = vector.broadcast %sqrt3A : vector<1x512xf32> to vector<16x512xf32>
    %div3A_24 = arith.divf %sub3A_13, %div3A_23 : vector<16x512xf32>
    %get3A_25 = arith.constant 0 : index
    %get3A_26 = arith.constant 0 : index
    %get3A_27 = vector.load %arg3[%get3A_25, %get3A_26] : memref<1x512xf32, #tpu.memory_space<vmem>>, vector<1x512xf32>
    %mul3A_28 = vector.broadcast %get3A_27 : vector<1x512xf32> to vector<16x512xf32>
    %mul3A_29 = arith.mulf %div3A_24, %mul3A_28 : vector<16x512xf32>
    %get3A_30 = arith.constant 0 : index
    %get3A_31 = arith.constant 0 : index
    %get3A_32 = vector.load %arg4[%get3A_30, %get3A_31] : memref<1x512xf32, #tpu.memory_space<vmem>>, vector<1x512xf32>
    %add3A_33 = vector.broadcast %get3A_32 : vector<1x512xf32> to vector<16x512xf32>
    %add3A_34 = arith.addf %mul3A_29, %add3A_33 : vector<16x512xf32>
    %neg3A = arith.constant 0.000000e+00 : f32
    %neg3A_35 = vector.broadcast %neg3A : f32 to vector<16x512xf32>
    %neg3A_36 = arith.subf %neg3A_35, %add3A_34 : vector<16x512xf32>
    %exp3A = math.exp %neg3A_36 : vector<16x512xf32>
    %add3A_37 = arith.constant 1.000000e+00 : f32
    %add3A_38 = vector.broadcast %add3A_37 : f32 to vector<16x512xf32>
    %add3A_39 = arith.addf %add3A_38, %exp3A : vector<16x512xf32>
    %div3A_40 = arith.constant 1.000000e+00 : f32
    %div3A_41 = vector.broadcast %div3A_40 : f32 to vector<16x512xf32>
    %div3A_42 = arith.divf %div3A_41, %add3A_39 : vector<16x512xf32>
    %mul3A_43 = arith.mulf %add3A_34, %div3A_42 : vector<16x512xf32>
    %get3A_44 = arith.constant 0 : index
    %get3A_45 = arith.constant 0 : index
    %get3A_46 = vector.load %arg5[%get3A_44, %get3A_45] : memref<512x7xf32, #tpu.memory_space<vmem>>, vector<512x7xf32>
    %dot_general3A_47 = arith.constant dense<0.000000e+00> : vector<16x7xf32>
    %dot_general3A_48 = tpu.matmul %mul3A_43, %get3A_46, %dot_general3A_47 {dimension_numbers = #tpu.dot_dimension_numbers<[1], [0], [0], [1], [0, 0, 1, 1], [], []>, precision = #tpu.contract_precision<fp32>, transpose_lhs_hint = false} : vector<16x512xf32>, vector<512x7xf32>, vector<16x7xf32> -> vector<16x7xf32>
    %get3A_49 = arith.constant 0 : index
    %get3A_50 = arith.constant 0 : index
    %get3A_51 = vector.load %arg6[%get3A_49, %get3A_50] : memref<1x7xf32, #tpu.memory_space<vmem>>, vector<1x7xf32>
    %add3A_52 = vector.broadcast %get3A_51 : vector<1x7xf32> to vector<16x7xf32>
    %add3A_53 = arith.addf %dot_general3A_48, %add3A_52 : vector<16x7xf32>
    %swap3A = arith.constant 0 : index
    %swap3A_54 = arith.constant 0 : index
    %swap3A_55 = vector.load %arg7[%swap3A, %swap3A_54] : memref<16x7xf32, #tpu.memory_space<vmem>>, vector<16x7xf32>
    tpu.vector_store %arg7[%swap3A, %swap3A_54], %add3A_53 {strides = array<i32>} : memref<16x7xf32, #tpu.memory_space<vmem>>, vector<16x7xf32>,
    return
  }
}

</mosaic_0001>

<sc_bundles>
// kernel: kernel.6.cloned.1.call-start
scs
__scs_entry_jumppad:
0x0: {  	(pc) =	sbr.rel $0x88, $3  }
0x1: {  	(tag) =	ssettag $0x0;
	lr =	simm.s32 $0x1  }
0x2: {  	[smem:$0x3F98] =	sst lr;
	_ =	strace $0xD0000000  }
0x3: {  	_ = 	snop  }
0x4: {  	_ = 	snop  }
0x5: {  	_ = 	snop  }
0x6: {  	_ = 	snop  }
0x7: {  	_ = 	snop  }
__scs_overlays_trampoline_lowered:
0x8: {  	[smem:$0x3FA7] =	sst s0  }
0x9: {  	[smem:$0x3FA8] =	sst s1  }
0xa: {  	[smem:$0x3FA9] =	sst s2  }
0xb: {  	[smem:$0x3FAA] =	sst s3  }
0xc: {  	[smem:$0x3FAB] =	sst s4  }
0xd: {  	[smem:$0x3FAC] =	sst s5  }
0xe: {  	[smem:$0x3FAD] =	sst s6  }
0xf: {  	[smem:$0x3FAE] =	sst s7  }
0x10: {  	[smem:$0x3FAF] =	sst s8  }
0x11: {  	[smem:$0x3FB0] =	sst s9;
	s0 =	simm.s32 @!p0 $0x0  }
0x12: {  	s1 =	sld [smem:$0x3F96];
	s0 =	simm.s32 @p0 $0x1  }
0x13: {  	[smem:$0x3FB1] =	sst s0;
	s0 =	simm.s32 @!p1 $0x0  }
0x14: {  	s2 =	sld [smem:$0x3F95];
	s0 =	simm.s32 @p1 $0x1  }
0x15: {  	[smem:$0x3FB2] =	sst s0;
	s0 =	simm.s32 @!p2 $0x0  }
0x16: {  	s3 =	sld [smem:$0x3FDB];
	s0 =	simm.s32 @p2 $0x1  }
0x17: {  	s4 =	simm.s32 $0x1BF5;
	[smem:$0x3FB4] =	sst s0  }
0x18: {  	s0 =	sld [smem:$0x3F97];
	_ =	swait.ge [sflag:s4], $0x0  }
0x19: {  	s7 =	sld [smem:$0x3F98]  }
0x1a: {  	s8 =	sadd.s32 $0xFFFFE003, lr  }
0x1b: {  	s9 =	sadd.s32 $0xFFFFFEF7, lr;
	s5 =	simm.s32 $0xFFFFFFFF;
	p2 =	slt.u32 s8, $0xFFFFF086  }
0x1c: {  	p1 =	slt.u32 s9, $0xF7A;
	s5 =	simm.s32 @!p2 $0x0  }
0x1d: {  	s5 =	simm.s32 @p1 $0x1;
	p0 =	seq.s32 s7, s2  }
0x1e: {  	s7 =	smul.u32 @!p0 $0xF7A, s2;
	p2 =	seq.s32 @!p0 s5, $0x0  }
0x1f: {  	s9 =	smul.u32 $0xF7A, s1;
	s8 =	simm.s32 @!p0 $0x1BF5;
	p2 =	por !p2, p0  }
0x20: {  	[sflag:s8] =	ssyncset.s32 @!p0 $0xFFFFF086;
	s6 =	sadd.s32 @!p0 s3, s7;
	s7 =	simm.s32 @!p0 $0x108  }
0x21: {  	s3 =	sadd.s32 s3, s9;
	s6 =	sadd.s32 @!p0 $0x88, s6;
	s7 =	simm.s32 @p2 $0x1082  }
0x22: {  	[simem:s7], [sflag:s8] =	dma.local @!p0 [hbm:s6], $0xF7A  }
0x23: {  	s9 =	sor.u32 $0xD0000000, s2;
	s6 =	simm.s32 $0x108;
	_ =	swait.ge @!p0 [sflag:s8], $0x0  }
0x24: {  	s3 =	sadd.s32 $0x88, s3;
	s6 =	simm.s32 @!p1 $0x1082;
	[sflag:s4] =	ssyncset.s32 $0xFFFFF086  }
0x25: {  	[simem:s6], [sflag:s4] =	dma.local [hbm:s3], $0xF7A  }
0x26: {  	[smem:$0x3F98] =	sst s1;
	(tag) =	ssettag s2;
	_ =	strace s9  }
0x27: {  	s1 =	sld [smem:$0x3FA8]  }
0x28: {  	s2 =	sld [smem:$0x3FA9]  }
0x29: {  	s4 =	sld [smem:$0x3FAB]  }
0x2a: {  	p0 =	seq.s32 s5, $0x0;
	s5 =	sld [smem:$0x3FAC]  }
0x2b: {  	s6 =	sld [smem:$0x3FAD]  }
0x2c: {  	s7 =	sld [smem:$0x3FAE]  }
0x2d: {  	s3 =	simm.s32 $0x108;
	s8 =	sld [smem:$0x3FAF]  }
0x2e: {  	s3 =	simm.s32 @!p0 $0x1082;
	s9 =	sld [smem:$0x3FB0]  }
0x2f: {  	lr =	sadd.s32 s0, s3;
	s0 =	sld [smem:$0x3FA7]  }
0x30: {  	s3 =	sld [smem:$0x3FAA]  }
0x31: {  	[smem:$0x3FB3] =	sst s10  }
0x32: {  	s10 =	sld [smem:$0x3FB1];
	_ =	sdelay $0x3  }
0x33: {  	p0 =	seq.s32 s10, $0x1;
	s10 =	sld [smem:$0x3FB3];
	_ =	sdelay $0x3  }
0x34: {  	[smem:$0x3FB3] =	sst s10  }
0x35: {  	s10 =	sld [smem:$0x3FB2];
	_ =	sdelay $0x3  }
0x36: {  	p1 =	seq.s32 s10, $0x1;
	s10 =	sld [smem:$0x3FB3];
	_ =	sdelay $0x3  }
0x37: {  	[smem:$0x3FB3] =	sst s10  }
0x38: {  	s10 =	sld [smem:$0x3FB4]  }
0x39: {  	_ = 	snop;
	(pc) =	sbr.ind lr, $3  }
0x3a: {  	_ = 	snop  }
0x3b: {  	_ = 	snop  }
0x3c: {  	p2 =	seq.s32 s10, $0x1;
	s10 =	sld [smem:$0x3FB3]  }
0x3d: {  	_ =	shalt  }
0x3e: {  	_ =	shalt  }
0x3f: {  	_ =	shalt  }
0x40: {  	_ =	shalt  }
0x41: {  	_ =	shalt  }
0x42: {  	_ =	shalt  }
0x43: {  	_ =	shalt  }
0x44: {  	_ =	shalt  }
0x45: {  	_ =	shalt  }
0x46: {  	_ =	shalt  }
0x47: {  	_ =	shalt  }
0x48: {  	_ =	shalt  }
0x49: {  	_ =	shalt  }
0x4a: {  	_ =	shalt  }
0x4b: {  	_ =	shalt  }
0x4c: {  	_ =	shalt  }
0x4d: {  	_ =	shalt  }
0x4e: {  	_ =	shalt  }
0x4f: {  	_ =	shalt  }
0x50: {  	_ =	shalt  }
0x51: {  	_ =	shalt  }
0x52: {  	_ =	shalt  }
0x53: {  	_ =	shalt  }
0x54: {  	_ =	shalt  }
0x55: {  	_ =	shalt  }
0x56: {  	_ =	shalt  }
0x57: {  	_ =	shalt  }
0x58: {  	_ =	shalt  }
0x59: {  	_ =	shalt  }
0x5a: {  	_ =	shalt  }
0x5b: {  	_ =	shalt  }
0x5c: {  	_ =	shalt  }
0x5d: {  	_ =	shalt  }
0x5e: {  	_ =	shalt  }
0x5f: {  	_ =	shalt  }
0x60: {  	_ =	shalt  }
0x61: {  	_ =	shalt  }
0x62: {  	_ =	shalt  }
0x63: {  	_ =	shalt  }
0x64: {  	_ =	shalt  }
0x65: {  	_ =	shalt  }
0x66: {  	_ =	shalt  }
0x67: {  	_ =	shalt  }
0x68: {  	_ =	shalt  }
0x69: {  	_ =	shalt  }
0x6a: {  	_ =	shalt  }
0x6b: {  	_ =	shalt  }
0x6c: {  	_ =	shalt  }
0x6d: {  	_ =	shalt  }
0x6e: {  	_ =	shalt  }
0x6f: {  	_ =	shalt  }
0x70: {  	_ =	shalt  }
0x71: {  	_ =	shalt  }
0x72: {  	_ =	shalt  }
0x73: {  	_ =	shalt  }
0x74: {  	_ =	shalt  }
0x75: {  	_ =	shalt  }
0x76: {  	_ =	shalt  }
0x77: {  	_ =	shalt  }
0x78: {  	_ =	shalt  }
0x79: {  	_ =	shalt  }
0x7a: {  	_ =	shalt  }
0x7b: {  	_ =	shalt  }
0x7c: {  	_ =	shalt  }
0x7d: {  	_ =	shalt  }
0x7e: {  	_ =	shalt  }
0x7f: {  	_ =	shalt  }
0x80: {  	_ =	shalt  }
0x81: {  	_ =	shalt  }
0x82: {  	_ =	shalt  }
0x83: {  	_ =	shalt  }
0x84: {  	_ =	shalt  }
0x85: {  	_ =	shalt  }
0x86: {  	_ =	shalt  }
0x87: {  	_ =	shalt  }
.Lfunc_end0:
.L_simem_size_0:
called_computation_lowered:
.L_overlay_start_0:
0x88: {  	s2 =	sld [smem:$0x3FD9]  }
0x89: {  	s3 =	sld [smem:$0x3FFE];
	_ =	sdelay $0x1  }
0x8a: {  	s1 =	srdreg.scid  }
0x8b: {  	s0 =	sand.u32 $0x1, s1  }
0x8c: {  	s17 =	sshll.u32 s0, $0xA;
	s2 =	sadd.s32 s3, s2  }
0x8d: {  	s2 =	sadd.s32 s2, s17  }
0x8e: {  	[smem:$0x3FBF] =	sst s2  }
0x8f: {  	_ = 	snop  }
0x90: {  	s2 =	sld [smem:$0x3FC8];
	(tm) =	ssettm $0x1  }
0x91: {  	s18 =	sld [smem:$0x3FFB];
	_ =	sdelay $0x3  }
0x92: {  	_ =	strace s18  }
0x93: {  	s3 =	sld [smem:$0x3FFC];
	_ =	sdelay $0x3  }
0x94: {  	_ =	strace s3  }
0x95: {  	s3 =	sld [smem:$0x3FFD];
	_ =	sdelay $0x3  }
0x96: {  	_ =	strace s3  }
0x97: {  	_ =	strace $0x8FFFFFFF  }
0x98: {  	s19 =	sld [smem:$0x3FDB];
	_ =	sdelay $0x1  }
0x99: {  	s4 =	simm.s32 $_scs_section_size  }
0x9a: {  	s5 =	simm.s32 $_size__tile_overlayer_lowered;
	s6 =	simm.s32 $_tile_overlayer_lowered  }
0x9b: {  	s22 =	simm.s32 $0x1BFF;
	s21 =	sshll.u32 s6, $0x1;
	s3 =	sadd.s32 s4, s19  }
0x9c: {  	s7 =	simm.s32 $0x0;
	s20 =	sshll.u32 s5, $0x1;
	s5 =	sadd.s32 s21, s3  }
0x9d: {  	[timem:s7], [sflag:s22] =	dma.local [hbm:s5], s20  }
0x9e: {  	_ =	swait.ge [sflag:s22], s20  }
0x9f: {  	s4 =	ssub.s32 $0x0, s20;
	[sflag:s22] =	ssyncset.done $0x0  }
0xa0: {  	[sflag:s22] =	ssyncadd.s32 s4;
	_ =	sdelay $0x1  }
0xa1: {  	s23 =	simm.s32 $0x1B8B  }
0xa2: {  	_ =	swait.ge [sflag:s23], $0x1  }
0xa3: {  	[sflag:s23] =	ssyncset.done $0x0  }
0xa4: {  	s25 =	simm.s32 $0x1B8E;
	s24 =	sld [smem:$0x3FFE];
	[sflag:s23] =	ssyncadd.s32 $0xFFFFFFFF  }
0xa5: {  	s26 =	simm.s32 $execute0_lowered;
	[smem:$0x3FD2] =	sst s25  }
0xa6: {  	s5 =	sshll.u32 s26, $0x1;
	_ =	strace $0x80000046;
	[dreg:$0x1] =	wrdreg $0xFFFFFFFF  }
0xa7: {  	s28 =	simm.s32 $_size_execute0_lowered;
	s3 =	sadd.s32 s3, s5;
	[dreg:$0x0] =	wrdreg $0x0  }
0xa8: {  	s5 =	sshll.u32 s28, $0x1;
	[dreg:$0x2] =	wrdreg s3  }
0xa9: {  	[dreg:$0x3] =	wrdreg s5  }
0xaa: {  	[dreg:$0x4] =	wrdreg $0xC0  }
0xab: {  	_ =	task [dreg:s7], $0x5FFFF  }
0xac: {  	[dreg:$0x1] =	wrdreg $0xFFFFFFFF  }
0xad: {  	[dreg:$0x0] =	wrdreg $0x60  }
0xae: {  	[dreg:$0x2] =	wrdreg s2  }
0xaf: {  	[dreg:$0x3] =	wrdreg s24  }
0xb0: {  	[dreg:$0x4] =	wrdreg $0x9  }
0xb1: {  	_ =	task.clear_ibuf [dreg:s7], $0x5FFFF;
	_ =	strace $0x90000046  }
0xb2: {  	s29 =	simm.s32 $0x9;
	_ =	strace $0x80000048  }
0xb3: {  	_ =	swait.ge [sflag:s29], $0x1  }
0xb4: {  	[sflag:s29] =	ssyncadd.s32 $0xFFFFFFFF  }
0xb5: {  	_ =	strace $0x90000048  }
0xb6: {  	_ =	sfence  }
0xb7: {  	s30 =	sld [smem:$0x0];
	_ =	sdelay $0x2  }
0xb8: {  	s31 =	sshll.u32 s1, $0xD;
	s1 =	sshrl.u32 s1, $0x2  }
0xb9: {  	s3 =	sand.u32 $0x4000, s31;
	s1 =	sadd.s32 s1, s30  }
0xba: {  	s0 =	sor.u32 s3, s0;
	s1 =	sshll.u32 s1, $0x11  }
0xbb: {  	s0 =	sor.u32 s1, s0  }
0xbc: {  	s0 =	sadd.s32 $0x8F2B, s0  }
0xbd: {  	[sflag:s0] =	ssyncadd.remote.s32 $0x1  }
0xbe: {  	_ =	sfence.sel $0xFFFF  }
0xbf: {  	[dreg:$0x0] =	wrdreg $0xFFFFFFFF;
	(pc) =	sbr.abs _section_cstart, $3  }
0xc0: {  	[dreg:$0x1] =	wrdreg $0xFFFFFFFF  }
0xc1: {  	_ =	task.clear_ibuf [dreg:s7], $0x2FFFF;
	_ =	strace $0x9FFFFFFF  }
0xc2: {  	(tm) =	ssettm $0x7FFFFFFF  }
0xc3: {  	_ =	shalt  }
tec
execute0_lowered:
.L_overlay_start_1:
0x0: {  	(tag) =	ssettag $0x1  }
0x1: {  	s2 =	rddreg [dreg:$0x0];
	s0 =	srdreg.scid  }
0x2: {  	s3 =	stileid.u32;
	s1 =	rddreg [dreg:$0x1]  }
0x3: {  	s31 =	simm.s32 $0x900;
	s11 =	simm.s32 $0x3900;
	s12 =	simm.s32 $0x4100  }
0x4: {  	s13 =	simm.s32 $0x4900;
	s14 =	simm.s32 $0x5100;
	s15 =	simm.s32 $0x5900  }
0x5: {  	s16 =	simm.s32 $0x6100;
	s17 =	simm.s32 $0x6900;
	s18 =	simm.s32 $0x7100  }
0x6: {  	s19 =	simm.s32 $0x7900;
	s20 =	simm.s32 $0x8100;
	s21 =	simm.s32 $0x8900  }
0x7: {  	s22 =	simm.s32 $0x9100;
	s0 =	sand.u32 $0x1, s0;
	s4 =	sshll.u32 s3, $0x1  }
0x8: {  	s3 =	simm.s32 $0x0;
	s6 =	sadd.s32 $0x5400, s1;
	s4 =	sor.u32 s0, s4  }
0x9: {  	s1 =	sadd.s32 $0x5A00, s1;
	s0 =	ssub.s32 $0x2, s0;
	s5 =	smul.u32 $0x140, s4  }
0xa: {  	[smem:$0x7FF] =	sst s3;
	s4 =	smul.u32 $0x5000, s4;
	s10 =	sshrl.u32 s0, $0x1  }
0xb: {  	_ =	strace $0x80000047;
	s0 =	ssub.s32 s0, s10;
	s10 =	simm.s32 $0x3100  }
0xc: {  	s7 =	sshrl.u32 s5, $0x3;
	s8 =	sadd.s32 $0x50, s5;
	s4 =	sadd.s32 s1, s4  }
0xd: {  	s24 =	sadd.s32 $0xA0, s5;
	s5 =	sadd.s32 $0xF0, s5;
	s7 =	sadd.s32 s6, s7  }
0xe: {  	s9 =	sshrl.u32 s8, $0x3;
	[dreg:$0x5] =	wrdreg s4;
	s25 =	sshrl.u32 s24, $0x3  }
0xf: {  	s8 =	sshll.u32 s8, $0x6;
	s28 =	sshrl.u32 s5, $0x3;
	s30 =	sshll.u32 s24, $0x6  }
0x10: {  	s5 =	sshll.u32 s5, $0x6;
	[dreg:$0x3] =	wrdreg s7;
	s23 =	sadd.s32 s6, s9  }
0x11: {  	s24 =	simm.s32 $0x3;
	s4 =	sadd.s32 s6, s25;
	[dreg:$0x4] =	wrdreg s23  }
0x12: {  	s26 =	sadd.s32 s1, s8;
	s29 =	sadd.s32 s6, s28;
	[dreg:$0x6] =	wrdreg s4  }
0x13: {  	s6 =	sadd.s32 s1, s30;
	s1 =	sadd.s32 s1, s5;
	[dreg:$0x7] =	wrdreg s26  }
0x14: {  	s5 =	smax.u32 s0, $0x1;
	s25 =	simm.s32 $0x2;
	[dreg:$0x8] =	wrdreg s29  }
0x15: {  	v2 =	vlaneseq.u32;
	s8 =	simm.s32 $0x2100;
	s9 =	simm.s32 $0x2900;
	[dreg:$0x9] =	wrdreg s6  }
0x16: {  	vm0 =	vmmov $0xffff;
	v1 =	vshrl.u32 v2, $0x3;
	s7 =	simm.s32 $0x9900;
	s4 =	sadd.s32 $0x100, s2;
	[dreg:$0xa] =	wrdreg s1  }
0x17: {  	v0 =	vand.u32 $0x7, v2;
	v2 =	vor.u32 $0x8, v2;
	v1 =	vmul.u32 $0x8, v1;
	s6 =	simm.s32 $0x5;
	s26 =	simm.s32 $0x4;
	s23 =	simm.s32 $0xA100  }
.LBB2_1:
0x18: {  	s28 =	rddreg [dreg:$0x3]  }
0x19: {  	[tilespmem:s3], [sflag:$0x5] =	stream.linear.gather [hbm4b:s28+s3], $0x50, $0x38;
	[tilespmem:$0x14100] =	vst v63  }
0x1a: {  	_ =	swait.ge [sflag:s6], $0x50  }
0x1b: {  	[sflag:s6] =	ssyncset.done $0x0  }
0x1c: {  	[sflag:s6] =	ssyncadd.s32 $0xFFFFFFB0  }
0x1d: {  	v3 =	vld [tilespmem:$0x0];
	_ =	sdelay $0x4  }
0x1e: {  	v4 =	vshll.u32 v3, $0x2  }
0x1f: {  	v3 =	vand.u32 $0x7, v3;
	v4 =	vand.u32 $0xFFFFFFE0, v4  }
0x20: {  	v3 =	vor.u32 v3, v4  }
0x21: {  	v4 =	vperm.xlane v3, v0;
	_ =	sdelay $0x1  }
0x22: {  	v4 =	vadd.s32 v1, v4;
	_ =	sdelay $0x1  }
0x23: {  	v3 =	vperm.xlane v3, v2;
	_ =	sdelay $0x1  }
0x24: {  	s0 =	simm.s32 $0x100;
	v3 =	vadd.s32 v1, v3  }
0x25: {  	[tilespmem:s0], [sflag:$0x1] =	stream.indirect_vreg.gather [hbm4b:s2+s3], $0x80, v4, vm0, $0xb8;
	[tilespmem:$0x14100] =	vst v63  }
0x26: {  	_ = 	snop  }
0x27: {  	[tilespmem:s31], [sflag:$0x1] =	stream.indirect_vreg.gather [hbm4b:s4+s3], $0x80, v4, vm0, $0xb8;
	[tilespmem:$0x14100] =	vst v63  }
0x28: {  	s1 =	simm.s32 $0x1100  }
0x29: {  	[tilespmem:s1], [sflag:$0x1] =	stream.indirect_vreg.gather [hbm4b:s2+s3], $0x80, v3, vm0, $0xb8;
	[tilespmem:$0x14100] =	vst v63  }
0x2a: {  	s28 =	simm.s32 $0x1900  }
0x2b: {  	[tilespmem:s28], [sflag:$0x1] =	stream.indirect_vreg.gather [hbm4b:s4+s3], $0x80, v3, vm0, $0xb8;
	[tilespmem:$0x14100] =	vst v63  }
0x2c: {  	v3 =	vld [tilespmem:$0x10];
	_ =	sdelay $0x4  }
0x2d: {  	v45 =	vshll.u32 v3, $0x2  }
0x2e: {  	v3 =	vand.u32 $0x7, v3;
	v4 =	vand.u32 $0xFFFFFFE0, v45  }
0x2f: {  	v3 =	vor.u32 v3, v4  }
0x30: {  	v4 =	vperm.xlane v3, v0;
	_ =	sdelay $0x1  }
0x31: {  	v4 =	vadd.s32 v1, v4;
	_ =	sdelay $0x1  }
0x32: {  	v3 =	vperm.xlane v3, v2;
	_ =	sdelay $0x1  }
0x33: {  	v3 =	vadd.s32 v1, v3  }
0x34: {  	[tilespmem:s8], [sflag:$0x1] =	stream.indirect_vreg.gather [hbm4b:s2+s3], $0x80, v4, vm0, $0xb8;
	[tilespmem:$0x14100] =	vst v63  }
0x35: {  	_ = 	snop  }
0x36: {  	[tilespmem:s9], [sflag:$0x1] =	stream.indirect_vreg.gather [hbm4b:s4+s3], $0x80, v4, vm0, $0xb8;
	[tilespmem:$0x14100] =	vst v63  }
0x37: {  	_ = 	snop  }
0x38: {  	[tilespmem:s10], [sflag:$0x1] =	stream.indirect_vreg.gather [hbm4b:s2+s3], $0x80, v3, vm0, $0xb8;
	[tilespmem:$0x14100] =	vst v63  }
0x39: {  	_ = 	snop  }
0x3a: {  	[tilespmem:s11], [sflag:$0x1] =	stream.indirect_vreg.gather [hbm4b:s4+s3], $0x80, v3, vm0, $0xb8;
	[tilespmem:$0x14100] =	vst v63  }
0x3b: {  	v3 =	vld [tilespmem:$0x20];
	_ =	sdelay $0x4  }
0x3c: {  	v46 =	vshll.u32 v3, $0x2  }
0x3d: {  	v3 =	vand.u32 $0x7, v3;
	v4 =	vand.u32 $0xFFFFFFE0, v46  }
0x3e: {  	v3 =	vor.u32 v3, v4  }
0x3f: {  	v4 =	vperm.xlane v3, v0;
	_ =	sdelay $0x1  }
0x40: {  	v4 =	vadd.s32 v1, v4;
	_ =	sdelay $0x1  }
0x41: {  	v3 =	vperm.xlane v3, v2;
	_ =	sdelay $0x1  }
0x42: {  	v3 =	vadd.s32 v1, v3  }
0x43: {  	[tilespmem:s12], [sflag:$0x1] =	stream.indirect_vreg.gather [hbm4b:s2+s3], $0x80, v4, vm0, $0xb8;
	[tilespmem:$0x14100] =	vst v63  }
0x44: {  	_ = 	snop  }
0x45: {  	[tilespmem:s13], [sflag:$0x1] =	stream.indirect_vreg.gather [hbm4b:s4+s3], $0x80, v4, vm0, $0xb8;
	[tilespmem:$0x14100] =	vst v63  }
0x46: {  	_ = 	snop  }
0x47: {  	[tilespmem:s14], [sflag:$0x1] =	stream.indirect_vreg.gather [hbm4b:s2+s3], $0x80, v3, vm0, $0xb8;
	[tilespmem:$0x14100] =	vst v63  }
0x48: {  	_ = 	snop  }
0x49: {  	[tilespmem:s15], [sflag:$0x1] =	stream.indirect_vreg.gather [hbm4b:s4+s3], $0x80, v3, vm0, $0xb8;
	[tilespmem:$0x14100] =	vst v63  }
0x4a: {  	v3 =	vld [tilespmem:$0x30];
	_ =	sdelay $0x4  }
0x4b: {  	v47 =	vshll.u32 v3, $0x2  }
0x4c: {  	v3 =	vand.u32 $0x7, v3;
	v4 =	vand.u32 $0xFFFFFFE0, v47  }
0x4d: {  	v3 =	vor.u32 v3, v4  }
0x4e: {  	v4 =	vperm.xlane v3, v0;
	_ =	sdelay $0x1  }
0x4f: {  	v4 =	vadd.s32 v1, v4;
	_ =	sdelay $0x1  }
0x50: {  	v3 =	vperm.xlane v3, v2;
	_ =	sdelay $0x1  }
0x51: {  	v3 =	vadd.s32 v1, v3  }
0x52: {  	[tilespmem:s16], [sflag:$0x1] =	stream.indirect_vreg.gather [hbm4b:s2+s3], $0x80, v4, vm0, $0xb8;
	[tilespmem:$0x14100] =	vst v63  }
0x53: {  	_ = 	snop  }
0x54: {  	[tilespmem:s17], [sflag:$0x1] =	stream.indirect_vreg.gather [hbm4b:s4+s3], $0x80, v4, vm0, $0xb8;
	[tilespmem:$0x14100] =	vst v63  }
0x55: {  	_ = 	snop  }
0x56: {  	[tilespmem:s18], [sflag:$0x1] =	stream.indirect_vreg.gather [hbm4b:s2+s3], $0x80, v3, vm0, $0xb8;
	[tilespmem:$0x14100] =	vst v63  }
0x57: {  	_ = 	snop  }
0x58: {  	[tilespmem:s19], [sflag:$0x1] =	stream.indirect_vreg.gather [hbm4b:s4+s3], $0x80, v3, vm0, $0xb8;
	[tilespmem:$0x14100] =	vst v63  }
0x59: {  	v3 =	vld [tilespmem:$0x40];
	_ =	sdelay $0x4  }
0x5a: {  	v48 =	vshll.u32 v3, $0x2  }
0x5b: {  	v3 =	vand.u32 $0x7, v3;
	v4 =	vand.u32 $0xFFFFFFE0, v48  }
0x5c: {  	v3 =	vor.u32 v3, v4  }
0x5d: {  	v4 =	vperm.xlane v3, v0;
	_ =	sdelay $0x1  }
0x5e: {  	v4 =	vadd.s32 v1, v4;
	_ =	sdelay $0x1  }
0x5f: {  	v3 =	vperm.xlane v3, v2;
	_ =	sdelay $0x1  }
0x60: {  	v3 =	vadd.s32 v1, v3  }
0x61: {  	[tilespmem:s20], [sflag:$0x1] =	stream.indirect_vreg.gather [hbm4b:s2+s3], $0x80, v4, vm0, $0xb8;
	[tilespmem:$0x14100] =	vst v63  }
0x62: {  	_ = 	snop  }
0x63: {  	[tilespmem:s21], [sflag:$0x1] =	stream.indirect_vreg.gather [hbm4b:s4+s3], $0x80, v4, vm0, $0xb8;
	[tilespmem:$0x14100] =	vst v63  }
0x64: {  	_ = 	snop  }
0x65: {  	[tilespmem:s22], [sflag:$0x1] =	stream.indirect_vreg.gather [hbm4b:s2+s3], $0x80, v3, vm0, $0xb8;
	[tilespmem:$0x14100] =	vst v63  }
0x66: {  	_ = 	snop  }
0x67: {  	[tilespmem:s7], [sflag:$0x1] =	stream.indirect_vreg.gather [hbm4b:s4+s3], $0x80, v3, vm0, $0xb8;
	[tilespmem:$0x14100] =	vst v63  }
0x68: {  	s30 =	simm.s32 $0x80;
	s29 =	rddreg [dreg:$0x4]  }
0x69: {  	[tilespmem:s30], [sflag:$0x5] =	stream.linear.gather [hbm4b:s29+s3], $0x50, $0x38;
	[tilespmem:$0x14100] =	vst v63  }
0x6a: {  	_ =	swait.ge [sflag:s6], $0x50  }
0x6b: {  	[sflag:s6] =	ssyncset.done $0x0  }
0x6c: {  	[sflag:s6] =	ssyncadd.s32 $0xFFFFFFB0  }
0x6d: {  	v3 =	vld [tilespmem:$0x80];
	_ =	sdelay $0x4  }
0x6e: {  	v49 =	vshll.u32 v3, $0x2  }
0x6f: {  	v3 =	vand.u32 $0x7, v3;
	v4 =	vand.u32 $0xFFFFFFE0, v49  }
0x70: {  	v3 =	vor.u32 v3, v4  }
0x71: {  	v4 =	vperm.xlane v3, v0;
	_ =	sdelay $0x1  }
0x72: {  	v4 =	vadd.s32 v1, v4;
	_ =	sdelay $0x1  }
0x73: {  	v3 =	vperm.xlane v3, v2;
	_ =	sdelay $0x1  }
0x74: {  	v3 =	vadd.s32 v1, v3  }
0x75: {  	[tilespmem:s23], [sflag:$0x2] =	stream.indirect_vreg.gather [hbm4b:s2+s3], $0x80, v4, vm0, $0xb8;
	[tilespmem:$0x14100] =	vst v63  }
0x76: {  	s29 =	simm.s32 $0xA900  }
0x77: {  	[tilespmem:s29], [sflag:$0x2] =	stream.indirect_vreg.gather [hbm4b:s4+s3], $0x80, v4, vm0, $0xb8;
	[tilespmem:$0x14100] =	vst v63  }
0x78: {  	s30 =	simm.s32 $0xB100  }
0x79: {  	[tilespmem:s30], [sflag:$0x2] =	stream.indirect_vreg.gather [hbm4b:s2+s3], $0x80, v3, vm0, $0xb8;
	[tilespmem:$0x14100] =	vst v63  }
0x7a: {  	s28 =	simm.s32 $0xB900  }
0x7b: {  	[tilespmem:s28], [sflag:$0x2] =	stream.indirect_vreg.gather [hbm4b:s4+s3], $0x80, v3, vm0, $0xb8;
	[tilespmem:$0x14100] =	vst v63  }
0x7c: {  	v3 =	vld [tilespmem:$0x90];
	_ =	sdelay $0x4  }
0x7d: {  	v50 =	vshll.u32 v3, $0x2  }
0x7e: {  	v3 =	vand.u32 $0x7, v3;
	v4 =	vand.u32 $0xFFFFFFE0, v50  }
0x7f: {  	v3 =	vor.u32 v3, v4  }
0x80: {  	v4 =	vperm.xlane v3, v0;
	_ =	sdelay $0x1  }
0x81: {  	v4 =	vadd.s32 v1, v4;
	_ =	sdelay $0x1  }
0x82: {  	v3 =	vperm.xlane v3, v2;
	_ =	sdelay $0x1  }
0x83: {  	s29 =	simm.s32 $0xC100;
	v3 =	vadd.s32 v1, v3  }
0x84: {  	[tilespmem:s29], [sflag:$0x2] =	stream.indirect_vreg.gather [hbm4b:s2+s3], $0x80, v4, vm0, $0xb8;
	[tilespmem:$0x14100] =	vst v63  }
0x85: {  	s30 =	simm.s32 $0xC900  }
0x86: {  	[tilespmem:s30], [sflag:$0x2] =	stream.indirect_vreg.gather [hbm4b:s4+s3], $0x80, v4, vm0, $0xb8;
	[tilespmem:$0x14100] =	vst v63  }
0x87: {  	s28 =	simm.s32 $0xD100  }
0x88: {  	[tilespmem:s28], [sflag:$0x2] =	stream.indirect_vreg.gather [hbm4b:s2+s3], $0x80, v3, vm0, $0xb8;
	[tilespmem:$0x14100] =	vst v63  }
0x89: {  	s29 =	simm.s32 $0xD900  }
0x8a: {  	[tilespmem:s29], [sflag:$0x2] =	stream.indirect_vreg.gather [hbm4b:s4+s3], $0x80, v3, vm0, $0xb8;
	[tilespmem:$0x14100] =	vst v63  }
0x8b: {  	v3 =	vld [tilespmem:$0xA0];
	_ =	sdelay $0x4  }
0x8c: {  	v51 =	vshll.u32 v3, $0x2  }
0x8d: {  	v3 =	vand.u32 $0x7, v3;
	v4 =	vand.u32 $0xFFFFFFE0, v51  }
0x8e: {  	v3 =	vor.u32 v3, v4  }
0x8f: {  	v4 =	vperm.xlane v3, v0;
	_ =	sdelay $0x1  }
0x90: {  	v4 =	vadd.s32 v1, v4;
	_ =	sdelay $0x1  }
0x91: {  	v3 =	vperm.xlane v3, v2;
	_ =	sdelay $0x1  }
0x92: {  	s30 =	simm.s32 $0xE100;
	v3 =	vadd.s32 v1, v3  }
0x93: {  	[tilespmem:s30], [sflag:$0x2] =	stream.indirect_vreg.gather [hbm4b:s2+s3], $0x80, v4, vm0, $0xb8;
	[tilespmem:$0x14100] =	vst v63  }
0x94: {  	s28 =	simm.s32 $0xE900  }
0x95: {  	[tilespmem:s28], [sflag:$0x2] =	stream.indirect_vreg.gather [hbm4b:s4+s3], $0x80, v4, vm0, $0xb8;
	[tilespmem:$0x14100] =	vst v63  }
0x96: {  	s29 =	simm.s32 $0xF100  }
0x97: {  	[tilespmem:s29], [sflag:$0x2] =	stream.indirect_vreg.gather [hbm4b:s2+s3], $0x80, v3, vm0, $0xb8;
	[tilespmem:$0x14100] =	vst v63  }
0x98: {  	s30 =	simm.s32 $0xF900  }
0x99: {  	[tilespmem:s30], [sflag:$0x2] =	stream.indirect_vreg.gather [hbm4b:s4+s3], $0x80, v3, vm0, $0xb8;
	[tilespmem:$0x14100] =	vst v63  }
0x9a: {  	v3 =	vld [tilespmem:$0xB0];
	_ =	sdelay $0x4  }
0x9b: {  	v52 =	vshll.u32 v3, $0x2  }
0x9c: {  	v3 =	vand.u32 $0x7, v3;
	v4 =	vand.u32 $0xFFFFFFE0, v52  }
0x9d: {  	v3 =	vor.u32 v3, v4  }
0x9e: {  	v4 =	vperm.xlane v3, v0;
	_ =	sdelay $0x1  }
0x9f: {  	v4 =	vadd.s32 v1, v4;
	_ =	sdelay $0x1  }
0xa0: {  	v3 =	vperm.xlane v3, v2;
	_ =	sdelay $0x1  }
0xa1: {  	s28 =	simm.s32 $0x10100;
	v3 =	vadd.s32 v1, v3  }
0xa2: {  	[tilespmem:s28], [sflag:$0x2] =	stream.indirect_vreg.gather [hbm4b:s2+s3], $0x80, v4, vm0, $0xb8;
	[tilespmem:$0x14100] =	vst v63  }
0xa3: {  	s29 =	simm.s32 $0x10900  }
0xa4: {  	[tilespmem:s29], [sflag:$0x2] =	stream.indirect_vreg.gather [hbm4b:s4+s3], $0x80, v4, vm0, $0xb8;
	[tilespmem:$0x14100] =	vst v63  }
0xa5: {  	s30 =	simm.s32 $0x11100  }
0xa6: {  	[tilespmem:s30], [sflag:$0x2] =	stream.indirect_vreg.gather [hbm4b:s2+s3], $0x80, v3, vm0, $0xb8;
	[tilespmem:$0x14100] =	vst v63  }
0xa7: {  	s28 =	simm.s32 $0x11900  }
0xa8: {  	[tilespmem:s28], [sflag:$0x2] =	stream.indirect_vreg.gather [hbm4b:s4+s3], $0x80, v3, vm0, $0xb8;
	[tilespmem:$0x14100] =	vst v63  }
0xa9: {  	v3 =	vld [tilespmem:$0xC0];
	_ =	sdelay $0x4  }
0xaa: {  	v53 =	vshll.u32 v3, $0x2  }
0xab: {  	v3 =	vand.u32 $0x7, v3;
	v4 =	vand.u32 $0xFFFFFFE0, v53  }
0xac: {  	v3 =	vor.u32 v3, v4  }
0xad: {  	v4 =	vperm.xlane v3, v0;
	_ =	sdelay $0x1  }
0xae: {  	v4 =	vadd.s32 v1, v4;
	_ =	sdelay $0x1  }
0xaf: {  	v3 =	vperm.xlane v3, v2;
	_ =	sdelay $0x1  }
0xb0: {  	s29 =	simm.s32 $0x12100;
	v3 =	vadd.s32 v1, v3  }
0xb1: {  	[tilespmem:s29], [sflag:$0x2] =	stream.indirect_vreg.gather [hbm4b:s2+s3], $0x80, v4, vm0, $0xb8;
	[tilespmem:$0x14100] =	vst v63  }
0xb2: {  	s30 =	simm.s32 $0x12900  }
0xb3: {  	[tilespmem:s30], [sflag:$0x2] =	stream.indirect_vreg.gather [hbm4b:s4+s3], $0x80, v4, vm0, $0xb8;
	[tilespmem:$0x14100] =	vst v63  }
0xb4: {  	s28 =	simm.s32 $0x13100  }
0xb5: {  	[tilespmem:s28], [sflag:$0x2] =	stream.indirect_vreg.gather [hbm4b:s2+s3], $0x80, v3, vm0, $0xb8;
	[tilespmem:$0x14100] =	vst v63  }
0xb6: {  	s0 =	simm.s32 $0x1;
	s29 =	simm.s32 $0x13900  }
0xb7: {  	[tilespmem:s29], [sflag:$0x2] =	stream.indirect_vreg.gather [hbm4b:s4+s3], $0x80, v3, vm0, $0xb8;
	[tilespmem:$0x14100] =	vst v63  }
0xb8: {  	_ =	swait.ge [sflag:s0], $0xA000  }
0xb9: {  	[sflag:s0] =	ssyncset.done $0x0  }
0xba: {  	s29 =	simm.s32 $0x100;
	s28 =	rddreg [dreg:$0x5];
	[sflag:s0] =	ssyncadd.s32 $0xFFFF6000  }
0xbb: {  	[hbm4b:s28+s3] =	stream.linear.scatter [tilespmem:s29], [sflag:$0x3], $0xA000, $0x38;
	[tilespmem:$0x14100] =	vst v63  }
0xbc: {  	s30 =	rddreg [dreg:$0x6]  }
0xbd: {  	[tilespmem:s3], [sflag:$0x5] =	stream.linear.gather [hbm4b:s30+s3], $0x50, $0x38;
	[tilespmem:$0x14100] =	vst v63  }
0xbe: {  	_ =	swait.ge [sflag:s6], $0x50  }
0xbf: {  	[sflag:s6] =	ssyncset.done $0x0  }
0xc0: {  	[sflag:s6] =	ssyncadd.s32 $0xFFFFFFB0  }
0xc1: {  	_ =	swait.ge [sflag:s24], $0xA000  }
0xc2: {  	[sflag:s24] =	ssyncset.done $0x0  }
0xc3: {  	[sflag:s24] =	ssyncadd.s32 $0xFFFF6000  }
0xc4: {  	v3 =	vld [tilespmem:$0x0];
	_ =	sdelay $0x4  }
0xc5: {  	v54 =	vshll.u32 v3, $0x2  }
0xc6: {  	v3 =	vand.u32 $0x7, v3;
	v4 =	vand.u32 $0xFFFFFFE0, v54  }
0xc7: {  	v3 =	vor.u32 v3, v4  }
0xc8: {  	v4 =	vperm.xlane v3, v0;
	_ =	sdelay $0x1  }
0xc9: {  	v4 =	vadd.s32 v1, v4;
	_ =	sdelay $0x1  }
0xca: {  	v3 =	vperm.xlane v3, v2;
	_ =	sdelay $0x1  }
0xcb: {  	v3 =	vadd.s32 v1, v3  }
0xcc: {  	[tilespmem:s29], [sflag:$0x1] =	stream.indirect_vreg.gather [hbm4b:s2+s3], $0x80, v4, vm0, $0xb8;
	[tilespmem:$0x14100] =	vst v63  }
0xcd: {  	_ = 	snop  }
0xce: {  	[tilespmem:s31], [sflag:$0x1] =	stream.indirect_vreg.gather [hbm4b:s4+s3], $0x80, v4, vm0, $0xb8;
	[tilespmem:$0x14100] =	vst v63  }
0xcf: {  	_ = 	snop  }
0xd0: {  	[tilespmem:s1], [sflag:$0x1] =	stream.indirect_vreg.gather [hbm4b:s2+s3], $0x80, v3, vm0, $0xb8;
	[tilespmem:$0x14100] =	vst v63  }
0xd1: {  	s30 =	simm.s32 $0x1900  }
0xd2: {  	[tilespmem:s30], [sflag:$0x1] =	stream.indirect_vreg.gather [hbm4b:s4+s3], $0x80, v3, vm0, $0xb8;
	[tilespmem:$0x14100] =	vst v63  }
0xd3: {  	v3 =	vld [tilespmem:$0x10];
	_ =	sdelay $0x4  }
0xd4: {  	v55 =	vshll.u32 v3, $0x2  }
0xd5: {  	v3 =	vand.u32 $0x7, v3;
	v4 =	vand.u32 $0xFFFFFFE0, v55  }
0xd6: {  	v3 =	vor.u32 v3, v4  }
0xd7: {  	v4 =	vperm.xlane v3, v0;
	_ =	sdelay $0x1  }
0xd8: {  	v4 =	vadd.s32 v1, v4;
	_ =	sdelay $0x1  }
0xd9: {  	v3 =	vperm.xlane v3, v2;
	_ =	sdelay $0x1  }
0xda: {  	v3 =	vadd.s32 v1, v3  }
0xdb: {  	[tilespmem:s8], [sflag:$0x1] =	stream.indirect_vreg.gather [hbm4b:s2+s3], $0x80, v4, vm0, $0xb8;
	[tilespmem:$0x14100] =	vst v63  }
0xdc: {  	_ = 	snop  }
0xdd: {  	[tilespmem:s9], [sflag:$0x1] =	stream.indirect_vreg.gather [hbm4b:s4+s3], $0x80, v4, vm0, $0xb8;
	[tilespmem:$0x14100] =	vst v63  }
0xde: {  	_ = 	snop  }
0xdf: {  	[tilespmem:s10], [sflag:$0x1] =	stream.indirect_vreg.gather [hbm4b:s2+s3], $0x80, v3, vm0, $0xb8;
	[tilespmem:$0x14100] =	vst v63  }
0xe0: {  	_ = 	snop  }
0xe1: {  	[tilespmem:s11], [sflag:$0x1] =	stream.indirect_vreg.gather [hbm4b:s4+s3], $0x80, v3, vm0, $0xb8;
	[tilespmem:$0x14100] =	vst v63  }
0xe2: {  	v3 =	vld [tilespmem:$0x20];
	_ =	sdelay $0x4  }
0xe3: {  	v56 =	vshll.u32 v3, $0x2  }
0xe4: {  	v3 =	vand.u32 $0x7, v3;
	v4 =	vand.u32 $0xFFFFFFE0, v56  }
0xe5: {  	v3 =	vor.u32 v3, v4  }
0xe6: {  	v4 =	vperm.xlane v3, v0;
	_ =	sdelay $0x1  }
0xe7: {  	v4 =	vadd.s32 v1, v4;
	_ =	sdelay $0x1  }
0xe8: {  	v3 =	vperm.xlane v3, v2;
	_ =	sdelay $0x1  }
0xe9: {  	v3 =	vadd.s32 v1, v3  }
0xea: {  	[tilespmem:s12], [sflag:$0x1] =	stream.indirect_vreg.gather [hbm4b:s2+s3], $0x80, v4, vm0, $0xb8;
	[tilespmem:$0x14100] =	vst v63  }
0xeb: {  	_ = 	snop  }
0xec: {  	[tilespmem:s13], [sflag:$0x1] =	stream.indirect_vreg.gather [hbm4b:s4+s3], $0x80, v4, vm0, $0xb8;
	[tilespmem:$0x14100] =	vst v63  }
0xed: {  	_ = 	snop  }
0xee: {  	[tilespmem:s14], [sflag:$0x1] =	stream.indirect_vreg.gather [hbm4b:s2+s3], $0x80, v3, vm0, $0xb8;
	[tilespmem:$0x14100] =	vst v63  }
0xef: {  	_ = 	snop  }
0xf0: {  	[tilespmem:s15], [sflag:$0x1] =	stream.indirect_vreg.gather [hbm4b:s4+s3], $0x80, v3, vm0, $0xb8;
	[tilespmem:$0x14100] =	vst v63  }
0xf1: {  	v3 =	vld [tilespmem:$0x30];
	_ =	sdelay $0x4  }
0xf2: {  	v57 =	vshll.u32 v3, $0x2  }
0xf3: {  	v3 =	vand.u32 $0x7, v3;
	v4 =	vand.u32 $0xFFFFFFE0, v57  }
0xf4: {  	v3 =	vor.u32 v3, v4  }
0xf5: {  	v4 =	vperm.xlane v3, v0;
	_ =	sdelay $0x1  }
0xf6: {  	v4 =	vadd.s32 v1, v4;
	_ =	sdelay $0x1  }
0xf7: {  	v3 =	vperm.xlane v3, v2;
	_ =	sdelay $0x1  }
0xf8: {  	v3 =	vadd.s32 v1, v3  }
0xf9: {  	[tilespmem:s16], [sflag:$0x1] =	stream.indirect_vreg.gather [hbm4b:s2+s3], $0x80, v4, vm0, $0xb8;
	[tilespmem:$0x14100] =	vst v63  }
0xfa: {  	_ = 	snop  }
0xfb: {  	[tilespmem:s17], [sflag:$0x1] =	stream.indirect_vreg.gather [hbm4b:s4+s3], $0x80, v4, vm0, $0xb8;
	[tilespmem:$0x14100] =	vst v63  }
0xfc: {  	_ = 	snop  }
0xfd: {  	[tilespmem:s18], [sflag:$0x1] =	stream.indirect_vreg.gather [hbm4b:s2+s3], $0x80, v3, vm0, $0xb8;
	[tilespmem:$0x14100] =	vst v63  }
0xfe: {  	_ = 	snop  }
0xff: {  	[tilespmem:s19], [sflag:$0x1] =	stream.indirect_vreg.gather [hbm4b:s4+s3], $0x80, v3, vm0, $0xb8;
	[tilespmem:$0x14100] =	vst v63  }
0x100: {  	v3 =	vld [tilespmem:$0x40];
	_ =	sdelay $0x4  }
0x101: {  	v58 =	vshll.u32 v3, $0x2  }
0x102: {  	v3 =	vand.u32 $0x7, v3;
	v4 =	vand.u32 $0xFFFFFFE0, v58  }
0x103: {  	v3 =	vor.u32 v3, v4  }
0x104: {  	v4 =	vperm.xlane v3, v0;
	_ =	sdelay $0x1  }
0x105: {  	v4 =	vadd.s32 v1, v4;
	_ =	sdelay $0x1  }
0x106: {  	v3 =	vperm.xlane v3, v2;
	_ =	sdelay $0x1  }
0x107: {  	v3 =	vadd.s32 v1, v3  }
0x108: {  	[tilespmem:s20], [sflag:$0x1] =	stream.indirect_vreg.gather [hbm4b:s2+s3], $0x80, v4, vm0, $0xb8;
	[tilespmem:$0x14100] =	vst v63  }
0x109: {  	_ = 	snop  }
0x10a: {  	[tilespmem:s21], [sflag:$0x1] =	stream.indirect_vreg.gather [hbm4b:s4+s3], $0x80, v4, vm0, $0xb8;
	[tilespmem:$0x14100] =	vst v63  }
0x10b: {  	_ = 	snop  }
0x10c: {  	[tilespmem:s22], [sflag:$0x1] =	stream.indirect_vreg.gather [hbm4b:s2+s3], $0x80, v3, vm0, $0xb8;
	[tilespmem:$0x14100] =	vst v63  }
0x10d: {  	_ = 	snop  }
0x10e: {  	[tilespmem:s7], [sflag:$0x1] =	stream.indirect_vreg.gather [hbm4b:s4+s3], $0x80, v3, vm0, $0xb8;
	[tilespmem:$0x14100] =	vst v63  }
0x10f: {  	_ =	swait.ge [sflag:s25], $0xA000  }
0x110: {  	[sflag:s25] =	ssyncset.done $0x0  }
0x111: {  	s28 =	rddreg [dreg:$0x7];
	[sflag:s25] =	ssyncadd.s32 $0xFFFF6000  }
0x112: {  	[hbm4b:s28+s3] =	stream.linear.scatter [tilespmem:s23], [sflag:$0x4], $0xA000, $0x38;
	[tilespmem:$0x14100] =	vst v63  }
0x113: {  	s1 =	rddreg [dreg:$0x8];
	s28 =	simm.s32 $0x80  }
0x114: {  	[tilespmem:s28], [sflag:$0x5] =	stream.linear.gather [hbm4b:s1+s3], $0x50, $0x38;
	[tilespmem:$0x14100] =	vst v63  }
0x115: {  	_ =	swait.ge [sflag:s6], $0x50  }
0x116: {  	[sflag:s6] =	ssyncset.done $0x0  }
0x117: {  	[sflag:s6] =	ssyncadd.s32 $0xFFFFFFB0  }
0x118: {  	_ =	swait.ge [sflag:s26], $0xA000  }
0x119: {  	[sflag:s26] =	ssyncset.done $0x0  }
0x11a: {  	[sflag:s26] =	ssyncadd.s32 $0xFFFF6000  }
0x11b: {  	v3 =	vld [tilespmem:$0x80];
	_ =	sdelay $0x4  }
0x11c: {  	v59 =	vshll.u32 v3, $0x2  }
0x11d: {  	v3 =	vand.u32 $0x7, v3;
	v4 =	vand.u32 $0xFFFFFFE0, v59  }
0x11e: {  	v3 =	vor.u32 v3, v4  }
0x11f: {  	v4 =	vperm.xlane v3, v0;
	_ =	sdelay $0x1  }
0x120: {  	v4 =	vadd.s32 v1, v4;
	_ =	sdelay $0x1  }
0x121: {  	v3 =	vperm.xlane v3, v2;
	_ =	sdelay $0x1  }
0x122: {  	v3 =	vadd.s32 v1, v3  }
0x123: {  	[tilespmem:s23], [sflag:$0x2] =	stream.indirect_vreg.gather [hbm4b:s2+s3], $0x80, v4, vm0, $0xb8;
	[tilespmem:$0x14100] =	vst v63  }
0x124: {  	s30 =	simm.s32 $0xA900  }
0x125: {  	[tilespmem:s30], [sflag:$0x2] =	stream.indirect_vreg.gather [hbm4b:s4+s3], $0x80, v4, vm0, $0xb8;
	[tilespmem:$0x14100] =	vst v63  }
0x126: {  	s28 =	simm.s32 $0xB100  }
0x127: {  	[tilespmem:s28], [sflag:$0x2] =	stream.indirect_vreg.gather [hbm4b:s2+s3], $0x80, v3, vm0, $0xb8;
	[tilespmem:$0x14100] =	vst v63  }
0x128: {  	s30 =	simm.s32 $0xB900  }
0x129: {  	[tilespmem:s30], [sflag:$0x2] =	stream.indirect_vreg.gather [hbm4b:s4+s3], $0x80, v3, vm0, $0xb8;
	[tilespmem:$0x14100] =	vst v63  }
0x12a: {  	v3 =	vld [tilespmem:$0x90];
	_ =	sdelay $0x4  }
0x12b: {  	v60 =	vshll.u32 v3, $0x2  }
0x12c: {  	v3 =	vand.u32 $0x7, v3;
	v4 =	vand.u32 $0xFFFFFFE0, v60  }
0x12d: {  	v3 =	vor.u32 v3, v4  }
0x12e: {  	v4 =	vperm.xlane v3, v0;
	_ =	sdelay $0x1  }
0x12f: {  	v4 =	vadd.s32 v1, v4;
	_ =	sdelay $0x1  }
0x130: {  	v3 =	vperm.xlane v3, v2;
	_ =	sdelay $0x1  }
0x131: {  	s28 =	simm.s32 $0xC100;
	v3 =	vadd.s32 v1, v3  }
0x132: {  	[tilespmem:s28], [sflag:$0x2] =	stream.indirect_vreg.gather [hbm4b:s2+s3], $0x80, v4, vm0, $0xb8;
	[tilespmem:$0x14100] =	vst v63  }
0x133: {  	s30 =	simm.s32 $0xC900  }
0x134: {  	[tilespmem:s30], [sflag:$0x2] =	stream.indirect_vreg.gather [hbm4b:s4+s3], $0x80, v4, vm0, $0xb8;
	[tilespmem:$0x14100] =	vst v63  }
0x135: {  	s28 =	simm.s32 $0xD100  }
0x136: {  	[tilespmem:s28], [sflag:$0x2] =	stream.indirect_vreg.gather [hbm4b:s2+s3], $0x80, v3, vm0, $0xb8;
	[tilespmem:$0x14100] =	vst v63  }
0x137: {  	s30 =	simm.s32 $0xD900  }
0x138: {  	[tilespmem:s30], [sflag:$0x2] =	stream.indirect_vreg.gather [hbm4b:s4+s3], $0x80, v3, vm0, $0xb8;
	[tilespmem:$0x14100] =	vst v63  }
0x139: {  	v3 =	vld [tilespmem:$0xA0];
	_ =	sdelay $0x4  }
0x13a: {  	v61 =	vshll.u32 v3, $0x2  }
0x13b: {  	v3 =	vand.u32 $0x7, v3;
	v4 =	vand.u32 $0xFFFFFFE0, v61  }
0x13c: {  	v3 =	vor.u32 v3, v4  }
0x13d: {  	v4 =	vperm.xlane v3, v0;
	_ =	sdelay $0x1  }
0x13e: {  	v4 =	vadd.s32 v1, v4;
	_ =	sdelay $0x1  }
0x13f: {  	v3 =	vperm.xlane v3, v2;
	_ =	sdelay $0x1  }
0x140: {  	s28 =	simm.s32 $0xE100;
	v3 =	vadd.s32 v1, v3  }
0x141: {  	[tilespmem:s28], [sflag:$0x2] =	stream.indirect_vreg.gather [hbm4b:s2+s3], $0x80, v4, vm0, $0xb8;
	[tilespmem:$0x14100] =	vst v63  }
0x142: {  	s30 =	simm.s32 $0xE900  }
0x143: {  	[tilespmem:s30], [sflag:$0x2] =	stream.indirect_vreg.gather [hbm4b:s4+s3], $0x80, v4, vm0, $0xb8;
	[tilespmem:$0x14100] =	vst v63  }
0x144: {  	s28 =	simm.s32 $0xF100  }
0x145: {  	[tilespmem:s28], [sflag:$0x2] =	stream.indirect_vreg.gather [hbm4b:s2+s3], $0x80, v3, vm0, $0xb8;
	[tilespmem:$0x14100] =	vst v63  }
0x146: {  	s30 =	simm.s32 $0xF900  }
0x147: {  	[tilespmem:s30], [sflag:$0x2] =	stream.indirect_vreg.gather [hbm4b:s4+s3], $0x80, v3, vm0, $0xb8;
	[tilespmem:$0x14100] =	vst v63  }
0x148: {  	v3 =	vld [tilespmem:$0xB0];
	_ =	sdelay $0x4  }
0x149: {  	v62 =	vshll.u32 v3, $0x2  }
0x14a: {  	v3 =	vand.u32 $0x7, v3;
	v4 =	vand.u32 $0xFFFFFFE0, v62  }
0x14b: {  	v3 =	vor.u32 v3, v4  }
0x14c: {  	v4 =	vperm.xlane v3, v0;
	_ =	sdelay $0x1  }
0x14d: {  	v4 =	vadd.s32 v1, v4;
	_ =	sdelay $0x1  }
0x14e: {  	v3 =	vperm.xlane v3, v2;
	_ =	sdelay $0x1  }
0x14f: {  	s28 =	simm.s32 $0x10100;
	v3 =	vadd.s32 v1, v3  }
0x150: {  	[tilespmem:s28], [sflag:$0x2] =	stream.indirect_vreg.gather [hbm4b:s2+s3], $0x80, v4, vm0, $0xb8;
	[tilespmem:$0x14100] =	vst v63  }
0x151: {  	s30 =	simm.s32 $0x10900  }
0x152: {  	[tilespmem:s30], [sflag:$0x2] =	stream.indirect_vreg.gather [hbm4b:s4+s3], $0x80, v4, vm0, $0xb8;
	[tilespmem:$0x14100] =	vst v63  }
0x153: {  	s28 =	simm.s32 $0x11100  }
0x154: {  	[tilespmem:s28], [sflag:$0x2] =	stream.indirect_vreg.gather [hbm4b:s2+s3], $0x80, v3, vm0, $0xb8;
	[tilespmem:$0x14100] =	vst v63  }
0x155: {  	s30 =	simm.s32 $0x11900  }
0x156: {  	[tilespmem:s30], [sflag:$0x2] =	stream.indirect_vreg.gather [hbm4b:s4+s3], $0x80, v3, vm0, $0xb8;
	[tilespmem:$0x14100] =	vst v63  }
0x157: {  	v3 =	vld [tilespmem:$0xC0];
	_ =	sdelay $0x4  }
0x158: {  	v63 =	vshll.u32 v3, $0x2  }
0x159: {  	v3 =	vand.u32 $0x7, v3;
	v4 =	vand.u32 $0xFFFFFFE0, v63  }
0x15a: {  	v3 =	vor.u32 v3, v4  }
0x15b: {  	v4 =	vperm.xlane v3, v0;
	_ =	sdelay $0x1  }
0x15c: {  	v4 =	vadd.s32 v1, v4;
	_ =	sdelay $0x1  }
0x15d: {  	v3 =	vperm.xlane v3, v2;
	_ =	sdelay $0x1  }
0x15e: {  	s28 =	simm.s32 $0x12100;
	v3 =	vadd.s32 v1, v3  }
0x15f: {  	[tilespmem:s28], [sflag:$0x2] =	stream.indirect_vreg.gather [hbm4b:s2+s3], $0x80, v4, vm0, $0xb8;
	[tilespmem:$0x14100] =	vst v63  }
0x160: {  	s30 =	simm.s32 $0x12900  }
0x161: {  	[tilespmem:s30], [sflag:$0x2] =	stream.indirect_vreg.gather [hbm4b:s4+s3], $0x80, v4, vm0, $0xb8;
	[tilespmem:$0x14100] =	vst v63  }
0x162: {  	s28 =	simm.s32 $0x13100  }
0x163: {  	[tilespmem:s28], [sflag:$0x2] =	stream.indirect_vreg.gather [hbm4b:s2+s3], $0x80, v3, vm0, $0xb8;
	[tilespmem:$0x14100] =	vst v63  }
0x164: {  	s30 =	simm.s32 $0x13900  }
0x165: {  	[tilespmem:s30], [sflag:$0x2] =	stream.indirect_vreg.gather [hbm4b:s4+s3], $0x80, v3, vm0, $0xb8;
	[tilespmem:$0x14100] =	vst v63  }
0x166: {  	_ =	swait.ge [sflag:s0], $0xA000  }
0x167: {  	[sflag:s0] =	ssyncset.done $0x0  }
0x168: {  	s29 =	simm.s32 $0x100;
	s1 =	rddreg [dreg:$0x9];
	[sflag:s0] =	ssyncadd.s32 $0xFFFF6000  }
0x169: {  	[hbm4b:s1+s3] =	stream.linear.scatter [tilespmem:s29], [sflag:$0x3], $0xA000, $0x38;
	[tilespmem:$0x14100] =	vst v63  }
0x16a: {  	_ =	swait.ge [sflag:s25], $0xA000  }
0x16b: {  	[sflag:s25] =	ssyncset.done $0x0  }
0x16c: {  	s30 =	rddreg [dreg:$0xa];
	[sflag:s25] =	ssyncadd.s32 $0xFFFF6000  }
0x16d: {  	[hbm4b:s30+s3] =	stream.linear.scatter [tilespmem:s23], [sflag:$0x4], $0xA000, $0x38;
	[tilespmem:$0x14100] =	vst v63  }
0x16e: {  	p0 =	sne.s32 s5, $0x1;
	_ =	swait.ge [sflag:s24], $0xA000  }
.Ltmp0:
0x16f: {  	[sflag:s24] =	ssyncset.done $0x0;
	(pc) =	sbr.rel @p0 .LBB2_1-.Ltmp0, $4  }
0x170: {  	[sflag:s24] =	ssyncadd.s32 $0xFFFF6000  }
0x171: {  	_ =	swait.ge [sflag:s26], $0xA000  }
0x172: {  	[sflag:s26] =	ssyncset.done $0x0  }
0x173: {  	s5 =	sadd.s32 $0xFFFFFFFF, s5;
	[sflag:s26] =	ssyncadd.s32 $0xFFFF6000  }
0x174: {  	_ =	sfence.sel $0x180000  }
0x175: {  	[bflag:$0x0] =	sbarrier.arrive $0xFFFF  }
0x176: {  	_ =	strace $0x90000047  }
0x177: {  	s0 =	stileid.u32;
	[bflag:$0x2] =	sbarrier.arrive $0xFFFF  }
0x178: {  	p0 =	sne.s32 s0, $0x0;
	s0 =	rddreg [dreg:$0x2]  }
0x179: {  	s0 =	sadd.s32 @!p0 $0x100000, s0  }
0x17a: {  	[sflag:s0] =	ssyncadd.tile.s32 @!p0 $0x1;
	_ =	shalt  }
.Lfunc_end2:
_tile_overlayer_lowered:
.L_overlay_start_2:
0x17b: {  	(tag) =	ssettag $0x2  }
0x17c: {  	s0 =	rddreg [dreg:$0x0];
	s2 =	stileid.u32  }
0x17d: {  	s1 =	rddreg [dreg:$0x1];
	p0 =	sne.s32 s2, $0x0  }
0x17e: {  	s3 =	rddreg [dreg:$0x2];
	[bflag:$0x3] =	sbarrier.arrive $0xFFFF;
	s2 =	simm.s32 @!p0 $0x1C05  }
0x17f: {  	[timem:s3], [sflag:s2] =	dma.local @!p0 [hbm:s0], s1  }
0x180: {  	s0 =	simm.s32 @!p0 $0x5  }
0x181: {  	_ =	swait.ge @!p0 [sflag:s0], s1  }
0x182: {  	s1 =	ssub.s32 @!p0 $0x0, s1;
	[sflag:s0] =	ssyncset.done @!p0 $0x0  }
0x183: {  	[sflag:s0] =	ssyncadd.s32 @!p0 s1  }
0x184: {  	[bflag:$0x3] =	sbarrier.arrive $0xFFFF  }
0x185: {  	_ =	shalt  }

</sc_bundles>
